<compile_context>
chip_gen: v7x
topology: tpu7x:2x2x1
jax: 0.10.2.dev20260603
libtpu: 0.0.44.dev20260713+nightly
codegen_flags: <defaults>
</compile_context>

<pallas_src>
import functools

import jax
import jax.numpy as jnp
from jax import lax
from jax.experimental import pallas as pl
from jax.experimental.pallas import tpu as pltpu, tpu_sc as plsc

BATCH = 16384
DIM = 64
NC = 2
NS = 16
NW = NC * NS
BPW = BATCH // NW
GRP = 8
NGRP = BPW // GRP
WCHUNK = 128
NWCHUNK = BPW // WCHUNK

_mesh = plsc.VectorSubcoreMesh(core_axis_name="c", subcore_axis_name="s")


@functools.partial(
    pl.kernel,
    mesh=_mesh,
    out_type=jax.ShapeDtypeStruct((BATCH, DIM), jnp.float32),
    scratch_types=[
        pltpu.SMEM((BPW,), jnp.int32),
        pltpu.VMEM((BPW,), jnp.int32),
        pltpu.VMEM((BPW, DIM), jnp.float32),
        pltpu.SemaphoreType.DMA,
        pltpu.SemaphoreType.DMA,
    ],
)
def _embed_one(ids_hbm, tab_hbm, out_hbm, idx_s, idx_v, rows_v, gsem, wsem):
    wid = lax.axis_index("s") * NC + lax.axis_index("c")
    base = wid * BPW

    pltpu.sync_copy(ids_hbm.at[pl.ds(base, BPW)], idx_v)

    @pl.loop(0, BPW // 16)
    def spill_loop(g):
        v = idx_v[pl.ds(g * 16, 16)]
        for u in range(16):
            idx_s[g * 16 + u] = v[u]

    @pl.loop(0, NGRP)
    def fire_loop(g):
        for u in range(GRP):
            i = g * GRP + u
            pltpu.async_copy(
                tab_hbm.at[pl.ds(idx_s[i], 1)],
                rows_v.at[pl.ds(i, 1)],
                gsem,
            )

    pltpu.make_async_copy(tab_hbm.at[pl.ds(0, BPW)], rows_v, gsem).wait()

    for c in range(NWCHUNK):
        pltpu.async_copy(
            rows_v.at[pl.ds(c * WCHUNK, WCHUNK)],
            out_hbm.at[pl.ds(base + c * WCHUNK, WCHUNK)],
            wsem,
        )
    pltpu.make_async_copy(rows_v, out_hbm.at[pl.ds(base, BPW)], wsem).wait()


def kernel(user_ids, product_ids, user_table, product_table):
    u = _embed_one(user_ids.astype(jnp.int32), user_table)
    p = _embed_one(product_ids.astype(jnp.int32), product_table)
    return (u, p)

# --- scband reference (transcript-rebuilt; emitter-appended) ---
"""Pipeline reference for scband-hetero-embedding-3959959847137 (READ-ONLY COPY).

The authoritative reference and input builder live on the scoring server;
editing this copy changes nothing except your own understanding.
"""

import jax, jax.numpy as jnp
import numpy as np
import math

NUM_USERS = 1000000
NUM_PRODUCTS = 1000000
DIM = 64
BATCH = 16384

def setup_inputs(seed: int = 0) -> dict:
    key = jax.random.key(seed)
    k1, k2, k3, k4 = jax.random.split(key, 4)
    a = math.sqrt(6.0 / (DIM + DIM))
    user_table = jax.random.uniform(k1, (NUM_USERS, DIM), dtype=jnp.float32, minval=-a, maxval=a)
    product_table = jax.random.uniform(k2, (NUM_PRODUCTS, DIM), dtype=jnp.float32, minval=-a, maxval=a)
    user_ids = jax.random.randint(k3, (BATCH,), 0, NUM_USERS, dtype=jnp.int64 if jax.config.jax_enable_x64 else jnp.int32)
    product_ids = jax.random.randint(k4, (BATCH,), 0, NUM_PRODUCTS, dtype=jnp.int64 if jax.config.jax_enable_x64 else jnp.int32)
    return {"user_ids": user_ids, "product_ids": product_ids, "user_table": user_table, "product_table": product_table}

def reference(user_ids, product_ids, user_table, product_table):
    u = jnp.take(user_table, user_ids, axis=0)
    p = jnp.take(product_table, product_ids, axis=0)
    return (u, p)

if __name__ == "__main__":
    import jax
    _d = setup_inputs()
    print(jax.jit(kernel)(*tuple(_d.values())))

</pallas_src>

<mosaic_0001>
#map = affine_map<(d0, d1) -> (0)>
#map1 = affine_map<(d0, d1) -> (0, 0)>
module attributes {stable_mosaic.version = 14 : i64} {
  func.func @_embed_one(%arg0: i32, %arg1: i32, %arg2: memref<16384xi32, #tpu.memory_space<hbm>>, %arg3: memref<1000000x64xf32, #tpu.memory_space<hbm>>, %arg4: memref<16384x64xf32, #tpu.memory_space<hbm>>, %arg5: memref<512xi32, #tpu.memory_space<smem>>, %arg6: memref<512xi32, #tpu.memory_space<vmem>>, %arg7: memref<512x64xf32, #tpu.memory_space<vmem>>, %arg8: memref<!tpu.dma_semaphore, #tpu.memory_space<semaphore_mem>>, %arg9: memref<!tpu.dma_semaphore, #tpu.memory_space<semaphore_mem>>) attributes {dimension_semantics = [#tpu.dimension_semantics<core_parallel>, #tpu.dimension_semantics<subcore_parallel>], iteration_bounds = array<i64: 2, 16>, scalar_prefetch = 0 : i64, scratch_operands = 5 : i64, tpu.core_type = #tpu.core_type<sc_vector_subcore>, window_params = [{transform_indices = #map}, {transform_indices = #map1}, {transform_indices = #map1}]} {
    %mul3A = arith.constant 2 : i32
    %mul3A_0 = arith.muli %arg1, %mul3A : i32
    %add3A = arith.addi %mul3A_0, %arg0 : i32
    %mul3A_1 = arith.constant 512 : i32
    %mul3A_2 = arith.muli %add3A, %mul3A_1 : i32
    "tpu.region"() ({
      %run_scoped3A = tpu.sem_alloc : memref<!tpu.dma_semaphore, #tpu.memory_space<semaphore_mem>>
      %dma_start3A_68 = tpu.memref_slice %arg2[%mul3A_2] : memref<16384xi32, #tpu.memory_space<hbm>> -> memref<512xi32, #tpu.memory_space<hbm>>
      %dma_start3A_69 = tpu.memref_slice %arg2[%mul3A_2] : memref<16384xi32, #tpu.memory_space<hbm>> -> memref<512xi32, #tpu.memory_space<hbm>>
      tpu.enqueue_dma source(%dma_start3A_69 : memref<512xi32, #tpu.memory_space<hbm>>) target(%arg6 : memref<512xi32, #tpu.memory_space<vmem>>) target_semaphore(%run_scoped3A : memref<!tpu.dma_semaphore, #tpu.memory_space<semaphore_mem>>)
      %dma_wait3A_70 = tpu.memref_slice %arg2[%mul3A_2] : memref<16384xi32, #tpu.memory_space<hbm>> -> memref<512xi32, #tpu.memory_space<hbm>>
      %dma_wait3A_71 = tpu.memref_slice %arg2[%mul3A_2] : memref<16384xi32, #tpu.memory_space<hbm>> -> memref<512xi32, #tpu.memory_space<hbm>>
      tpu.wait_dma2 semaphore(%run_scoped3A : memref<!tpu.dma_semaphore, #tpu.memory_space<semaphore_mem>>) src(%dma_wait3A_71 : memref<512xi32, #tpu.memory_space<hbm>>) dst(%arg6 : memref<512xi32, #tpu.memory_space<vmem>>)
      tpu.yield
    }) : () -> ()
    %scan3A = arith.constant 0 : i32
    %scan3A_3 = arith.constant 32 : i32
    %scan3A_4 = arith.addi %scan3A, %scan3A_3 : i32
    %scan3A_5 = arith.constant 1 : i32
    scf.for %scan3A_68 = %scan3A to %scan3A_4 step %scan3A_5  : i32 {
      %mul3A_69 = arith.constant 1 : i32
      %mul3A_70 = arith.muli %scan3A_68, %mul3A_69 : i32
      %add3A_71 = arith.constant 0 : i32
      %add3A_72 = arith.addi %add3A_71, %mul3A_70 : i32
      %mul3A_73 = arith.constant 16 : i32
      %mul3A_74 = arith.muli %add3A_72, %mul3A_73 : i32
      %get3A = arith.index_cast %mul3A_74 : i32 to index
      %get3A_75 = tpu.vector_load %arg6[%get3A] {strides = array<i32>} : memref<512xi32, #tpu.memory_space<vmem>>, vector<16xi32>,
      %get3A_76 = vector.shape_cast %get3A_75 : vector<16xi32> to vector<16xi32>
      %slice3A = vector.extract_strided_slice %get3A_76 {offsets = [0], sizes = [1], strides = [1]} : vector<16xi32> to vector<1xi32>
      %squeeze3A = vector.extract %slice3A[0] : i32 from vector<1xi32>
      %mul3A_77 = arith.constant 16 : i32
      %mul3A_78 = arith.muli %add3A_72, %mul3A_77 : i32
      %add3A_79 = arith.constant 0 : i32
      %add3A_80 = arith.addi %mul3A_78, %add3A_79 : i32
      %swap3A = arith.index_cast %add3A_80 : i32 to index
      %swap3A_81 = memref.load %arg5[%swap3A] : memref<512xi32, #tpu.memory_space<smem>>
      memref.store %squeeze3A, %arg5[%swap3A] : memref<512xi32, #tpu.memory_space<smem>>
      %slice3A_82 = vector.extract_strided_slice %get3A_76 {offsets = [1], sizes = [1], strides = [1]} : vector<16xi32> to vector<1xi32>
      %squeeze3A_83 = vector.extract %slice3A_82[0] : i32 from vector<1xi32>
      %mul3A_84 = arith.constant 16 : i32
      %mul3A_85 = arith.muli %add3A_72, %mul3A_84 : i32
      %add3A_86 = arith.constant 1 : i32
      %add3A_87 = arith.addi %mul3A_85, %add3A_86 : i32
      %swap3A_88 = arith.index_cast %add3A_87 : i32 to index
      %swap3A_89 = memref.load %arg5[%swap3A_88] : memref<512xi32, #tpu.memory_space<smem>>
      memref.store %squeeze3A_83, %arg5[%swap3A_88] : memref<512xi32, #tpu.memory_space<smem>>
      %slice3A_90 = vector.extract_strided_slice %get3A_76 {offsets = [2], sizes = [1], strides = [1]} : vector<16xi32> to vector<1xi32>
      %squeeze3A_91 = vector.extract %slice3A_90[0] : i32 from vector<1xi32>
      %mul3A_92 = arith.constant 16 : i32
      %mul3A_93 = arith.muli %add3A_72, %mul3A_92 : i32
      %add3A_94 = arith.constant 2 : i32
      %add3A_95 = arith.addi %mul3A_93, %add3A_94 : i32
      %swap3A_96 = arith.index_cast %add3A_95 : i32 to index
      %swap3A_97 = memref.load %arg5[%swap3A_96] : memref<512xi32, #tpu.memory_space<smem>>
      memref.store %squeeze3A_91, %arg5[%swap3A_96] : memref<512xi32, #tpu.memory_space<smem>>
      %slice3A_98 = vector.extract_strided_slice %get3A_76 {offsets = [3], sizes = [1], strides = [1]} : vector<16xi32> to vector<1xi32>
      %squeeze3A_99 = vector.extract %slice3A_98[0] : i32 from vector<1xi32>
      %mul3A_100 = arith.constant 16 : i32
      %mul3A_101 = arith.muli %add3A_72, %mul3A_100 : i32
      %add3A_102 = arith.constant 3 : i32
      %add3A_103 = arith.addi %mul3A_101, %add3A_102 : i32
      %swap3A_104 = arith.index_cast %add3A_103 : i32 to index
      %swap3A_105 = memref.load %arg5[%swap3A_104] : memref<512xi32, #tpu.memory_space<smem>>
      memref.store %squeeze3A_99, %arg5[%swap3A_104] : memref<512xi32, #tpu.memory_space<smem>>
      %slice3A_106 = vector.extract_strided_slice %get3A_76 {offsets = [4], sizes = [1], strides = [1]} : vector<16xi32> to vector<1xi32>
      %squeeze3A_107 = vector.extract %slice3A_106[0] : i32 from vector<1xi32>
      %mul3A_108 = arith.constant 16 : i32
      %mul3A_109 = arith.muli %add3A_72, %mul3A_108 : i32
      %add3A_110 = arith.constant 4 : i32
      %add3A_111 = arith.addi %mul3A_109, %add3A_110 : i32
      %swap3A_112 = arith.index_cast %add3A_111 : i32 to index
      %swap3A_113 = memref.load %arg5[%swap3A_112] : memref<512xi32, #tpu.memory_space<smem>>
      memref.store %squeeze3A_107, %arg5[%swap3A_112] : memref<512xi32, #tpu.memory_space<smem>>
      %slice3A_114 = vector.extract_strided_slice %get3A_76 {offsets = [5], sizes = [1], strides = [1]} : vector<16xi32> to vector<1xi32>
      %squeeze3A_115 = vector.extract %slice3A_114[0] : i32 from vector<1xi32>
      %mul3A_116 = arith.constant 16 : i32
      %mul3A_117 = arith.muli %add3A_72, %mul3A_116 : i32
      %add3A_118 = arith.constant 5 : i32
      %add3A_119 = arith.addi %mul3A_117, %add3A_118 : i32
      %swap3A_120 = arith.index_cast %add3A_119 : i32 to index
      %swap3A_121 = memref.load %arg5[%swap3A_120] : memref<512xi32, #tpu.memory_space<smem>>
      memref.store %squeeze3A_115, %arg5[%swap3A_120] : memref<512xi32, #tpu.memory_space<smem>>
      %slice3A_122 = vector.extract_strided_slice %get3A_76 {offsets = [6], sizes = [1], strides = [1]} : vector<16xi32> to vector<1xi32>
      %squeeze3A_123 = vector.extract %slice3A_122[0] : i32 from vector<1xi32>
      %mul3A_124 = arith.constant 16 : i32
      %mul3A_125 = arith.muli %add3A_72, %mul3A_124 : i32
      %add3A_126 = arith.constant 6 : i32
      %add3A_127 = arith.addi %mul3A_125, %add3A_126 : i32
      %swap3A_128 = arith.index_cast %add3A_127 : i32 to index
      %swap3A_129 = memref.load %arg5[%swap3A_128] : memref<512xi32, #tpu.memory_space<smem>>
      memref.store %squeeze3A_123, %arg5[%swap3A_128] : memref<512xi32, #tpu.memory_space<smem>>
      %slice3A_130 = vector.extract_strided_slice %get3A_76 {offsets = [7], sizes = [1], strides = [1]} : vector<16xi32> to vector<1xi32>
      %squeeze3A_131 = vector.extract %slice3A_130[0] : i32 from vector<1xi32>
      %mul3A_132 = arith.constant 16 : i32
      %mul3A_133 = arith.muli %add3A_72, %mul3A_132 : i32
      %add3A_134 = arith.constant 7 : i32
      %add3A_135 = arith.addi %mul3A_133, %add3A_134 : i32
      %swap3A_136 = arith.index_cast %add3A_135 : i32 to index
      %swap3A_137 = memref.load %arg5[%swap3A_136] : memref<512xi32, #tpu.memory_space<smem>>
      memref.store %squeeze3A_131, %arg5[%swap3A_136] : memref<512xi32, #tpu.memory_space<smem>>
      %slice3A_138 = vector.extract_strided_slice %get3A_76 {offsets = [8], sizes = [1], strides = [1]} : vector<16xi32> to vector<1xi32>
      %squeeze3A_139 = vector.extract %slice3A_138[0] : i32 from vector<1xi32>
      %mul3A_140 = arith.constant 16 : i32
      %mul3A_141 = arith.muli %add3A_72, %mul3A_140 : i32
      %add3A_142 = arith.constant 8 : i32
      %add3A_143 = arith.addi %mul3A_141, %add3A_142 : i32
      %swap3A_144 = arith.index_cast %add3A_143 : i32 to index
      %swap3A_145 = memref.load %arg5[%swap3A_144] : memref<512xi32, #tpu.memory_space<smem>>
      memref.store %squeeze3A_139, %arg5[%swap3A_144] : memref<512xi32, #tpu.memory_space<smem>>
      %slice3A_146 = vector.extract_strided_slice %get3A_76 {offsets = [9], sizes = [1], strides = [1]} : vector<16xi32> to vector<1xi32>
      %squeeze3A_147 = vector.extract %slice3A_146[0] : i32 from vector<1xi32>
      %mul3A_148 = arith.constant 16 : i32
      %mul3A_149 = arith.muli %add3A_72, %mul3A_148 : i32
      %add3A_150 = arith.constant 9 : i32
      %add3A_151 = arith.addi %mul3A_149, %add3A_150 : i32
      %swap3A_152 = arith.index_cast %add3A_151 : i32 to index
      %swap3A_153 = memref.load %arg5[%swap3A_152] : memref<512xi32, #tpu.memory_space<smem>>
      memref.store %squeeze3A_147, %arg5[%swap3A_152] : memref<512xi32, #tpu.memory_space<smem>>
      %slice3A_154 = vector.extract_strided_slice %get3A_76 {offsets = [10], sizes = [1], strides = [1]} : vector<16xi32> to vector<1xi32>
      %squeeze3A_155 = vector.extract %slice3A_154[0] : i32 from vector<1xi32>
      %mul3A_156 = arith.constant 16 : i32
      %mul3A_157 = arith.muli %add3A_72, %mul3A_156 : i32
      %add3A_158 = arith.constant 10 : i32
      %add3A_159 = arith.addi %mul3A_157, %add3A_158 : i32
      %swap3A_160 = arith.index_cast %add3A_159 : i32 to index
      %swap3A_161 = memref.load %arg5[%swap3A_160] : memref<512xi32, #tpu.memory_space<smem>>
      memref.store %squeeze3A_155, %arg5[%swap3A_160] : memref<512xi32, #tpu.memory_space<smem>>
      %slice3A_162 = vector.extract_strided_slice %get3A_76 {offsets = [11], sizes = [1], strides = [1]} : vector<16xi32> to vector<1xi32>
      %squeeze3A_163 = vector.extract %slice3A_162[0] : i32 from vector<1xi32>
      %mul3A_164 = arith.constant 16 : i32
      %mul3A_165 = arith.muli %add3A_72, %mul3A_164 : i32
      %add3A_166 = arith.constant 11 : i32
      %add3A_167 = arith.addi %mul3A_165, %add3A_166 : i32
      %swap3A_168 = arith.index_cast %add3A_167 : i32 to index
      %swap3A_169 = memref.load %arg5[%swap3A_168] : memref<512xi32, #tpu.memory_space<smem>>
      memref.store %squeeze3A_163, %arg5[%swap3A_168] : memref<512xi32, #tpu.memory_space<smem>>
      %slice3A_170 = vector.extract_strided_slice %get3A_76 {offsets = [12], sizes = [1], strides = [1]} : vector<16xi32> to vector<1xi32>
      %squeeze3A_171 = vector.extract %slice3A_170[0] : i32 from vector<1xi32>
      %mul3A_172 = arith.constant 16 : i32
      %mul3A_173 = arith.muli %add3A_72, %mul3A_172 : i32
      %add3A_174 = arith.constant 12 : i32
      %add3A_175 = arith.addi %mul3A_173, %add3A_174 : i32
      %swap3A_176 = arith.index_cast %add3A_175 : i32 to index
      %swap3A_177 = memref.load %arg5[%swap3A_176] : memref<512xi32, #tpu.memory_space<smem>>
      memref.store %squeeze3A_171, %arg5[%swap3A_176] : memref<512xi32, #tpu.memory_space<smem>>
      %slice3A_178 = vector.extract_strided_slice %get3A_76 {offsets = [13], sizes = [1], strides = [1]} : vector<16xi32> to vector<1xi32>
      %squeeze3A_179 = vector.extract %slice3A_178[0] : i32 from vector<1xi32>
      %mul3A_180 = arith.constant 16 : i32
      %mul3A_181 = arith.muli %add3A_72, %mul3A_180 : i32
      %add3A_182 = arith.constant 13 : i32
      %add3A_183 = arith.addi %mul3A_181, %add3A_182 : i32
      %swap3A_184 = arith.index_cast %add3A_183 : i32 to index
      %swap3A_185 = memref.load %arg5[%swap3A_184] : memref<512xi32, #tpu.memory_space<smem>>
      memref.store %squeeze3A_179, %arg5[%swap3A_184] : memref<512xi32, #tpu.memory_space<smem>>
      %slice3A_186 = vector.extract_strided_slice %get3A_76 {offsets = [14], sizes = [1], strides = [1]} : vector<16xi32> to vector<1xi32>
      %squeeze3A_187 = vector.extract %slice3A_186[0] : i32 from vector<1xi32>
      %mul3A_188 = arith.constant 16 : i32
      %mul3A_189 = arith.muli %add3A_72, %mul3A_188 : i32
      %add3A_190 = arith.constant 14 : i32
      %add3A_191 = arith.addi %mul3A_189, %add3A_190 : i32
      %swap3A_192 = arith.index_cast %add3A_191 : i32 to index
      %swap3A_193 = memref.load %arg5[%swap3A_192] : memref<512xi32, #tpu.memory_space<smem>>
      memref.store %squeeze3A_187, %arg5[%swap3A_192] : memref<512xi32, #tpu.memory_space<smem>>
      %slice3A_194 = vector.extract_strided_slice %get3A_76 {offsets = [15], sizes = [1], strides = [1]} : vector<16xi32> to vector<1xi32>
      %squeeze3A_195 = vector.extract %slice3A_194[0] : i32 from vector<1xi32>
      %mul3A_196 = arith.constant 16 : i32
      %mul3A_197 = arith.muli %add3A_72, %mul3A_196 : i32
      %add3A_198 = arith.constant 15 : i32
      %add3A_199 = arith.addi %mul3A_197, %add3A_198 : i32
      %swap3A_200 = arith.index_cast %add3A_199 : i32 to index
      %swap3A_201 = memref.load %arg5[%swap3A_200] : memref<512xi32, #tpu.memory_space<smem>>
      memref.store %squeeze3A_195, %arg5[%swap3A_200] : memref<512xi32, #tpu.memory_space<smem>>
    }
    %scan3A_6 = arith.constant 32 : i32
    %scan3A_7 = arith.constant 0 : i32
    %scan3A_8 = arith.constant 64 : i32
    %scan3A_9 = arith.addi %scan3A_7, %scan3A_8 : i32
    %scan3A_10 = arith.constant 1 : i32
    scf.for %scan3A_68 = %scan3A_7 to %scan3A_9 step %scan3A_10  : i32 {
      %mul3A_69 = arith.constant 1 : i32
      %mul3A_70 = arith.muli %scan3A_68, %mul3A_69 : i32
      %add3A_71 = arith.constant 0 : i32
      %add3A_72 = arith.addi %add3A_71, %mul3A_70 : i32
      %mul3A_73 = arith.constant 8 : i32
      %mul3A_74 = arith.muli %add3A_72, %mul3A_73 : i32
      %add3A_75 = arith.constant 0 : i32
      %add3A_76 = arith.addi %mul3A_74, %add3A_75 : i32
      %get3A = arith.index_cast %add3A_76 : i32 to index
      %get3A_77 = memref.load %arg5[%get3A] : memref<512xi32, #tpu.memory_space<smem>>
      %dma_start3A_78 = arith.constant 0 : i32
      %dma_start3A_79 = tpu.memref_slice %arg7[%add3A_76, %dma_start3A_78] : memref<512x64xf32, #tpu.memory_space<vmem>> -> memref<1x64xf32, #tpu.memory_space<vmem>>
      %dma_start3A_80 = arith.constant 0 : i32
      %dma_start3A_81 = tpu.memref_slice %arg3[%get3A_77, %dma_start3A_80] : memref<1000000x64xf32, #tpu.memory_space<hbm>> -> memref<1x64xf32, #tpu.memory_space<hbm>>
      %dma_start3A_82 = arith.constant 0 : i32
      %dma_start3A_83 = tpu.memref_slice %arg7[%add3A_76, %dma_start3A_82] : memref<512x64xf32, #tpu.memory_space<vmem>> -> memref<1x64xf32, #tpu.memory_space<vmem>>
      %dma_start3A_84 = arith.constant 0 : i32
      %dma_start3A_85 = tpu.memref_slice %arg3[%get3A_77, %dma_start3A_84] : memref<1000000x64xf32, #tpu.memory_space<hbm>> -> memref<1x64xf32, #tpu.memory_space<hbm>>
      tpu.enqueue_dma source(%dma_start3A_85 : memref<1x64xf32, #tpu.memory_space<hbm>>) target(%dma_start3A_83 : memref<1x64xf32, #tpu.memory_space<vmem>>) target_semaphore(%arg8 : memref<!tpu.dma_semaphore, #tpu.memory_space<semaphore_mem>>)
      %mul3A_86 = arith.constant 8 : i32
      %mul3A_87 = arith.muli %add3A_72, %mul3A_86 : i32
      %add3A_88 = arith.constant 1 : i32
      %add3A_89 = arith.addi %mul3A_87, %add3A_88 : i32
      %get3A_90 = arith.index_cast %add3A_89 : i32 to index
      %get3A_91 = memref.load %arg5[%get3A_90] : memref<512xi32, #tpu.memory_space<smem>>
      %dma_start3A_92 = arith.constant 0 : i32
      %dma_start3A_93 = tpu.memref_slice %arg7[%add3A_89, %dma_start3A_92] : memref<512x64xf32, #tpu.memory_space<vmem>> -> memref<1x64xf32, #tpu.memory_space<vmem>>
      %dma_start3A_94 = arith.constant 0 : i32
      %dma_start3A_95 = tpu.memref_slice %arg3[%get3A_91, %dma_start3A_94] : memref<1000000x64xf32, #tpu.memory_space<hbm>> -> memref<1x64xf32, #tpu.memory_space<hbm>>
      %dma_start3A_96 = arith.constant 0 : i32
      %dma_start3A_97 = tpu.memref_slice %arg7[%add3A_89, %dma_start3A_96] : memref<512x64xf32, #tpu.memory_space<vmem>> -> memref<1x64xf32, #tpu.memory_space<vmem>>
      %dma_start3A_98 = arith.constant 0 : i32
      %dma_start3A_99 = tpu.memref_slice %arg3[%get3A_91, %dma_start3A_98] : memref<1000000x64xf32, #tpu.memory_space<hbm>> -> memref<1x64xf32, #tpu.memory_space<hbm>>
      tpu.enqueue_dma source(%dma_start3A_99 : memref<1x64xf32, #tpu.memory_space<hbm>>) target(%dma_start3A_97 : memref<1x64xf32, #tpu.memory_space<vmem>>) target_semaphore(%arg8 : memref<!tpu.dma_semaphore, #tpu.memory_space<semaphore_mem>>)
      %mul3A_100 = arith.constant 8 : i32
      %mul3A_101 = arith.muli %add3A_72, %mul3A_100 : i32
      %add3A_102 = arith.constant 2 : i32
      %add3A_103 = arith.addi %mul3A_101, %add3A_102 : i32
      %get3A_104 = arith.index_cast %add3A_103 : i32 to index
      %get3A_105 = memref.load %arg5[%get3A_104] : memref<512xi32, #tpu.memory_space<smem>>
      %dma_start3A_106 = arith.constant 0 : i32
      %dma_start3A_107 = tpu.memref_slice %arg7[%add3A_103, %dma_start3A_106] : memref<512x64xf32, #tpu.memory_space<vmem>> -> memref<1x64xf32, #tpu.memory_space<vmem>>
      %dma_start3A_108 = arith.constant 0 : i32
      %dma_start3A_109 = tpu.memref_slice %arg3[%get3A_105, %dma_start3A_108] : memref<1000000x64xf32, #tpu.memory_space<hbm>> -> memref<1x64xf32, #tpu.memory_space<hbm>>
      %dma_start3A_110 = arith.constant 0 : i32
      %dma_start3A_111 = tpu.memref_slice %arg7[%add3A_103, %dma_start3A_110] : memref<512x64xf32, #tpu.memory_space<vmem>> -> memref<1x64xf32, #tpu.memory_space<vmem>>
      %dma_start3A_112 = arith.constant 0 : i32
      %dma_start3A_113 = tpu.memref_slice %arg3[%get3A_105, %dma_start3A_112] : memref<1000000x64xf32, #tpu.memory_space<hbm>> -> memref<1x64xf32, #tpu.memory_space<hbm>>
      tpu.enqueue_dma source(%dma_start3A_113 : memref<1x64xf32, #tpu.memory_space<hbm>>) target(%dma_start3A_111 : memref<1x64xf32, #tpu.memory_space<vmem>>) target_semaphore(%arg8 : memref<!tpu.dma_semaphore, #tpu.memory_space<semaphore_mem>>)
      %mul3A_114 = arith.constant 8 : i32
      %mul3A_115 = arith.muli %add3A_72, %mul3A_114 : i32
      %add3A_116 = arith.constant 3 : i32
      %add3A_117 = arith.addi %mul3A_115, %add3A_116 : i32
      %get3A_118 = arith.index_cast %add3A_117 : i32 to index
      %get3A_119 = memref.load %arg5[%get3A_118] : memref<512xi32, #tpu.memory_space<smem>>
      %dma_start3A_120 = arith.constant 0 : i32
      %dma_start3A_121 = tpu.memref_slice %arg7[%add3A_117, %dma_start3A_120] : memref<512x64xf32, #tpu.memory_space<vmem>> -> memref<1x64xf32, #tpu.memory_space<vmem>>
      %dma_start3A_122 = arith.constant 0 : i32
      %dma_start3A_123 = tpu.memref_slice %arg3[%get3A_119, %dma_start3A_122] : memref<1000000x64xf32, #tpu.memory_space<hbm>> -> memref<1x64xf32, #tpu.memory_space<hbm>>
      %dma_start3A_124 = arith.constant 0 : i32
      %dma_start3A_125 = tpu.memref_slice %arg7[%add3A_117, %dma_start3A_124] : memref<512x64xf32, #tpu.memory_space<vmem>> -> memref<1x64xf32, #tpu.memory_space<vmem>>
      %dma_start3A_126 = arith.constant 0 : i32
      %dma_start3A_127 = tpu.memref_slice %arg3[%get3A_119, %dma_start3A_126] : memref<1000000x64xf32, #tpu.memory_space<hbm>> -> memref<1x64xf32, #tpu.memory_space<hbm>>
      tpu.enqueue_dma source(%dma_start3A_127 : memref<1x64xf32, #tpu.memory_space<hbm>>) target(%dma_start3A_125 : memref<1x64xf32, #tpu.memory_space<vmem>>) target_semaphore(%arg8 : memref<!tpu.dma_semaphore, #tpu.memory_space<semaphore_mem>>)
      %mul3A_128 = arith.constant 8 : i32
      %mul3A_129 = arith.muli %add3A_72, %mul3A_128 : i32
      %add3A_130 = arith.constant 4 : i32
      %add3A_131 = arith.addi %mul3A_129, %add3A_130 : i32
      %get3A_132 = arith.index_cast %add3A_131 : i32 to index
      %get3A_133 = memref.load %arg5[%get3A_132] : memref<512xi32, #tpu.memory_space<smem>>
      %dma_start3A_134 = arith.constant 0 : i32
      %dma_start3A_135 = tpu.memref_slice %arg7[%add3A_131, %dma_start3A_134] : memref<512x64xf32, #tpu.memory_space<vmem>> -> memref<1x64xf32, #tpu.memory_space<vmem>>
      %dma_start3A_136 = arith.constant 0 : i32
      %dma_start3A_137 = tpu.memref_slice %arg3[%get3A_133, %dma_start3A_136] : memref<1000000x64xf32, #tpu.memory_space<hbm>> -> memref<1x64xf32, #tpu.memory_space<hbm>>
      %dma_start3A_138 = arith.constant 0 : i32
      %dma_start3A_139 = tpu.memref_slice %arg7[%add3A_131, %dma_start3A_138] : memref<512x64xf32, #tpu.memory_space<vmem>> -> memref<1x64xf32, #tpu.memory_space<vmem>>
      %dma_start3A_140 = arith.constant 0 : i32
      %dma_start3A_141 = tpu.memref_slice %arg3[%get3A_133, %dma_start3A_140] : memref<1000000x64xf32, #tpu.memory_space<hbm>> -> memref<1x64xf32, #tpu.memory_space<hbm>>
      tpu.enqueue_dma source(%dma_start3A_141 : memref<1x64xf32, #tpu.memory_space<hbm>>) target(%dma_start3A_139 : memref<1x64xf32, #tpu.memory_space<vmem>>) target_semaphore(%arg8 : memref<!tpu.dma_semaphore, #tpu.memory_space<semaphore_mem>>)
      %mul3A_142 = arith.constant 8 : i32
      %mul3A_143 = arith.muli %add3A_72, %mul3A_142 : i32
      %add3A_144 = arith.constant 5 : i32
      %add3A_145 = arith.addi %mul3A_143, %add3A_144 : i32
      %get3A_146 = arith.index_cast %add3A_145 : i32 to index
      %get3A_147 = memref.load %arg5[%get3A_146] : memref<512xi32, #tpu.memory_space<smem>>
      %dma_start3A_148 = arith.constant 0 : i32
      %dma_start3A_149 = tpu.memref_slice %arg7[%add3A_145, %dma_start3A_148] : memref<512x64xf32, #tpu.memory_space<vmem>> -> memref<1x64xf32, #tpu.memory_space<vmem>>
      %dma_start3A_150 = arith.constant 0 : i32
      %dma_start3A_151 = tpu.memref_slice %arg3[%get3A_147, %dma_start3A_150] : memref<1000000x64xf32, #tpu.memory_space<hbm>> -> memref<1x64xf32, #tpu.memory_space<hbm>>
      %dma_start3A_152 = arith.constant 0 : i32
      %dma_start3A_153 = tpu.memref_slice %arg7[%add3A_145, %dma_start3A_152] : memref<512x64xf32, #tpu.memory_space<vmem>> -> memref<1x64xf32, #tpu.memory_space<vmem>>
      %dma_start3A_154 = arith.constant 0 : i32
      %dma_start3A_155 = tpu.memref_slice %arg3[%get3A_147, %dma_start3A_154] : memref<1000000x64xf32, #tpu.memory_space<hbm>> -> memref<1x64xf32, #tpu.memory_space<hbm>>
      tpu.enqueue_dma source(%dma_start3A_155 : memref<1x64xf32, #tpu.memory_space<hbm>>) target(%dma_start3A_153 : memref<1x64xf32, #tpu.memory_space<vmem>>) target_semaphore(%arg8 : memref<!tpu.dma_semaphore, #tpu.memory_space<semaphore_mem>>)
      %mul3A_156 = arith.constant 8 : i32
      %mul3A_157 = arith.muli %add3A_72, %mul3A_156 : i32
      %add3A_158 = arith.constant 6 : i32
      %add3A_159 = arith.addi %mul3A_157, %add3A_158 : i32
      %get3A_160 = arith.index_cast %add3A_159 : i32 to index
      %get3A_161 = memref.load %arg5[%get3A_160] : memref<512xi32, #tpu.memory_space<smem>>
      %dma_start3A_162 = arith.constant 0 : i32
      %dma_start3A_163 = tpu.memref_slice %arg7[%add3A_159, %dma_start3A_162] : memref<512x64xf32, #tpu.memory_space<vmem>> -> memref<1x64xf32, #tpu.memory_space<vmem>>
      %dma_start3A_164 = arith.constant 0 : i32
      %dma_start3A_165 = tpu.memref_slice %arg3[%get3A_161, %dma_start3A_164] : memref<1000000x64xf32, #tpu.memory_space<hbm>> -> memref<1x64xf32, #tpu.memory_space<hbm>>
      %dma_start3A_166 = arith.constant 0 : i32
      %dma_start3A_167 = tpu.memref_slice %arg7[%add3A_159, %dma_start3A_166] : memref<512x64xf32, #tpu.memory_space<vmem>> -> memref<1x64xf32, #tpu.memory_space<vmem>>
      %dma_start3A_168 = arith.constant 0 : i32
      %dma_start3A_169 = tpu.memref_slice %arg3[%get3A_161, %dma_start3A_168] : memref<1000000x64xf32, #tpu.memory_space<hbm>> -> memref<1x64xf32, #tpu.memory_space<hbm>>
      tpu.enqueue_dma source(%dma_start3A_169 : memref<1x64xf32, #tpu.memory_space<hbm>>) target(%dma_start3A_167 : memref<1x64xf32, #tpu.memory_space<vmem>>) target_semaphore(%arg8 : memref<!tpu.dma_semaphore, #tpu.memory_space<semaphore_mem>>)
      %mul3A_170 = arith.constant 8 : i32
      %mul3A_171 = arith.muli %add3A_72, %mul3A_170 : i32
      %add3A_172 = arith.constant 7 : i32
      %add3A_173 = arith.addi %mul3A_171, %add3A_172 : i32
      %get3A_174 = arith.index_cast %add3A_173 : i32 to index
      %get3A_175 = memref.load %arg5[%get3A_174] : memref<512xi32, #tpu.memory_space<smem>>
      %dma_start3A_176 = arith.constant 0 : i32
      %dma_start3A_177 = tpu.memref_slice %arg7[%add3A_173, %dma_start3A_176] : memref<512x64xf32, #tpu.memory_space<vmem>> -> memref<1x64xf32, #tpu.memory_space<vmem>>
      %dma_start3A_178 = arith.constant 0 : i32
      %dma_start3A_179 = tpu.memref_slice %arg3[%get3A_175, %dma_start3A_178] : memref<1000000x64xf32, #tpu.memory_space<hbm>> -> memref<1x64xf32, #tpu.memory_space<hbm>>
      %dma_start3A_180 = arith.constant 0 : i32
      %dma_start3A_181 = tpu.memref_slice %arg7[%add3A_173, %dma_start3A_180] : memref<512x64xf32, #tpu.memory_space<vmem>> -> memref<1x64xf32, #tpu.memory_space<vmem>>
      %dma_start3A_182 = arith.constant 0 : i32
      %dma_start3A_183 = tpu.memref_slice %arg3[%get3A_175, %dma_start3A_182] : memref<1000000x64xf32, #tpu.memory_space<hbm>> -> memref<1x64xf32, #tpu.memory_space<hbm>>
      tpu.enqueue_dma source(%dma_start3A_183 : memref<1x64xf32, #tpu.memory_space<hbm>>) target(%dma_start3A_181 : memref<1x64xf32, #tpu.memory_space<vmem>>) target_semaphore(%arg8 : memref<!tpu.dma_semaphore, #tpu.memory_space<semaphore_mem>>)
    }
    %scan3A_11 = arith.constant 64 : i32
    %dma_wait3A = arith.constant 0 : i32
    %dma_wait3A_12 = arith.constant 0 : i32
    %dma_wait3A_13 = tpu.memref_slice %arg3[%dma_wait3A, %dma_wait3A_12] : memref<1000000x64xf32, #tpu.memory_space<hbm>> -> memref<512x64xf32, #tpu.memory_space<hbm>>
    %dma_wait3A_14 = arith.constant 0 : i32
    %dma_wait3A_15 = arith.constant 0 : i32
    %dma_wait3A_16 = tpu.memref_slice %arg3[%dma_wait3A_14, %dma_wait3A_15] : memref<1000000x64xf32, #tpu.memory_space<hbm>> -> memref<512x64xf32, #tpu.memory_space<hbm>>
    tpu.wait_dma2 semaphore(%arg8 : memref<!tpu.dma_semaphore, #tpu.memory_space<semaphore_mem>>) src(%dma_wait3A_16 : memref<512x64xf32, #tpu.memory_space<hbm>>) dst(%arg7 : memref<512x64xf32, #tpu.memory_space<vmem>>)
    %add3A_17 = arith.constant 0 : i32
    %add3A_18 = arith.addi %mul3A_2, %add3A_17 : i32
    %dma_start3A = arith.constant 0 : i32
    %dma_start3A_19 = arith.constant 0 : i32
    %dma_start3A_20 = tpu.memref_slice %arg7[%dma_start3A, %dma_start3A_19] : memref<512x64xf32, #tpu.memory_space<vmem>> -> memref<128x64xf32, #tpu.memory_space<vmem>>
    %dma_start3A_21 = arith.constant 0 : i32
    %dma_start3A_22 = tpu.memref_slice %arg4[%add3A_18, %dma_start3A_21] : memref<16384x64xf32, #tpu.memory_space<hbm>> -> memref<128x64xf32, #tpu.memory_space<hbm>>
    %dma_start3A_23 = arith.constant 0 : i32
    %dma_start3A_24 = tpu.memref_slice %arg4[%add3A_18, %dma_start3A_23] : memref<16384x64xf32, #tpu.memory_space<hbm>> -> memref<128x64xf32, #tpu.memory_space<hbm>>
    %dma_start3A_25 = arith.constant 0 : i32
    %dma_start3A_26 = arith.constant 0 : i32
    %dma_start3A_27 = tpu.memref_slice %arg7[%dma_start3A_25, %dma_start3A_26] : memref<512x64xf32, #tpu.memory_space<vmem>> -> memref<128x64xf32, #tpu.memory_space<vmem>>
    tpu.enqueue_dma source(%dma_start3A_27 : memref<128x64xf32, #tpu.memory_space<vmem>>) target(%dma_start3A_24 : memref<128x64xf32, #tpu.memory_space<hbm>>) target_semaphore(%arg9 : memref<!tpu.dma_semaphore, #tpu.memory_space<semaphore_mem>>)
    %add3A_28 = arith.constant 128 : i32
    %add3A_29 = arith.addi %mul3A_2, %add3A_28 : i32
    %dma_start3A_30 = arith.constant 128 : i32
    %dma_start3A_31 = arith.constant 0 : i32
    %dma_start3A_32 = tpu.memref_slice %arg7[%dma_start3A_30, %dma_start3A_31] : memref<512x64xf32, #tpu.memory_space<vmem>> -> memref<128x64xf32, #tpu.memory_space<vmem>>
    %dma_start3A_33 = arith.constant 0 : i32
    %dma_start3A_34 = tpu.memref_slice %arg4[%add3A_29, %dma_start3A_33] : memref<16384x64xf32, #tpu.memory_space<hbm>> -> memref<128x64xf32, #tpu.memory_space<hbm>>
    %dma_start3A_35 = arith.constant 0 : i32
    %dma_start3A_36 = tpu.memref_slice %arg4[%add3A_29, %dma_start3A_35] : memref<16384x64xf32, #tpu.memory_space<hbm>> -> memref<128x64xf32, #tpu.memory_space<hbm>>
    %dma_start3A_37 = arith.constant 128 : i32
    %dma_start3A_38 = arith.constant 0 : i32
    %dma_start3A_39 = tpu.memref_slice %arg7[%dma_start3A_37, %dma_start3A_38] : memref<512x64xf32, #tpu.memory_space<vmem>> -> memref<128x64xf32, #tpu.memory_space<vmem>>
    tpu.enqueue_dma source(%dma_start3A_39 : memref<128x64xf32, #tpu.memory_space<vmem>>) target(%dma_start3A_36 : memref<128x64xf32, #tpu.memory_space<hbm>>) target_semaphore(%arg9 : memref<!tpu.dma_semaphore, #tpu.memory_space<semaphore_mem>>)
    %add3A_40 = arith.constant 256 : i32
    %add3A_41 = arith.addi %mul3A_2, %add3A_40 : i32
    %dma_start3A_42 = arith.constant 256 : i32
    %dma_start3A_43 = arith.constant 0 : i32
    %dma_start3A_44 = tpu.memref_slice %arg7[%dma_start3A_42, %dma_start3A_43] : memref<512x64xf32, #tpu.memory_space<vmem>> -> memref<128x64xf32, #tpu.memory_space<vmem>>
    %dma_start3A_45 = arith.constant 0 : i32
    %dma_start3A_46 = tpu.memref_slice %arg4[%add3A_41, %dma_start3A_45] : memref<16384x64xf32, #tpu.memory_space<hbm>> -> memref<128x64xf32, #tpu.memory_space<hbm>>
    %dma_start3A_47 = arith.constant 0 : i32
    %dma_start3A_48 = tpu.memref_slice %arg4[%add3A_41, %dma_start3A_47] : memref<16384x64xf32, #tpu.memory_space<hbm>> -> memref<128x64xf32, #tpu.memory_space<hbm>>
    %dma_start3A_49 = arith.constant 256 : i32
    %dma_start3A_50 = arith.constant 0 : i32
    %dma_start3A_51 = tpu.memref_slice %arg7[%dma_start3A_49, %dma_start3A_50] : memref<512x64xf32, #tpu.memory_space<vmem>> -> memref<128x64xf32, #tpu.memory_space<vmem>>
    tpu.enqueue_dma source(%dma_start3A_51 : memref<128x64xf32, #tpu.memory_space<vmem>>) target(%dma_start3A_48 : memref<128x64xf32, #tpu.memory_space<hbm>>) target_semaphore(%arg9 : memref<!tpu.dma_semaphore, #tpu.memory_space<semaphore_mem>>)
    %add3A_52 = arith.constant 384 : i32
    %add3A_53 = arith.addi %mul3A_2, %add3A_52 : i32
    %dma_start3A_54 = arith.constant 384 : i32
    %dma_start3A_55 = arith.constant 0 : i32
    %dma_start3A_56 = tpu.memref_slice %arg7[%dma_start3A_54, %dma_start3A_55] : memref<512x64xf32, #tpu.memory_space<vmem>> -> memref<128x64xf32, #tpu.memory_space<vmem>>
    %dma_start3A_57 = arith.constant 0 : i32
    %dma_start3A_58 = tpu.memref_slice %arg4[%add3A_53, %dma_start3A_57] : memref<16384x64xf32, #tpu.memory_space<hbm>> -> memref<128x64xf32, #tpu.memory_space<hbm>>
    %dma_start3A_59 = arith.constant 0 : i32
    %dma_start3A_60 = tpu.memref_slice %arg4[%add3A_53, %dma_start3A_59] : memref<16384x64xf32, #tpu.memory_space<hbm>> -> memref<128x64xf32, #tpu.memory_space<hbm>>
    %dma_start3A_61 = arith.constant 384 : i32
    %dma_start3A_62 = arith.constant 0 : i32
    %dma_start3A_63 = tpu.memref_slice %arg7[%dma_start3A_61, %dma_start3A_62] : memref<512x64xf32, #tpu.memory_space<vmem>> -> memref<128x64xf32, #tpu.memory_space<vmem>>
    tpu.enqueue_dma source(%dma_start3A_63 : memref<128x64xf32, #tpu.memory_space<vmem>>) target(%dma_start3A_60 : memref<128x64xf32, #tpu.memory_space<hbm>>) target_semaphore(%arg9 : memref<!tpu.dma_semaphore, #tpu.memory_space<semaphore_mem>>)
    %dma_wait3A_64 = arith.constant 0 : i32
    %dma_wait3A_65 = tpu.memref_slice %arg4[%mul3A_2, %dma_wait3A_64] : memref<16384x64xf32, #tpu.memory_space<hbm>> -> memref<512x64xf32, #tpu.memory_space<hbm>>
    %dma_wait3A_66 = arith.constant 0 : i32
    %dma_wait3A_67 = tpu.memref_slice %arg4[%mul3A_2, %dma_wait3A_66] : memref<16384x64xf32, #tpu.memory_space<hbm>> -> memref<512x64xf32, #tpu.memory_space<hbm>>
    tpu.wait_dma2 semaphore(%arg9 : memref<!tpu.dma_semaphore, #tpu.memory_space<semaphore_mem>>) src(%arg7 : memref<512x64xf32, #tpu.memory_space<vmem>>) dst(%dma_wait3A_67 : memref<512x64xf32, #tpu.memory_space<hbm>>)
    return
  }
}

#map = affine_map<(d0, d1) -> (0)>
#map1 = affine_map<(d0, d1) -> (0, 0)>
module attributes {stable_mosaic.version = 14 : i64} {
  func.func @_embed_one(%arg0: i32, %arg1: i32, %arg2: memref<16384xi32, #tpu.memory_space<hbm>>, %arg3: memref<1000000x64xf32, #tpu.memory_space<hbm>>, %arg4: memref<16384x64xf32, #tpu.memory_space<hbm>>, %arg5: memref<512xi32, #tpu.memory_space<smem>>, %arg6: memref<512xi32, #tpu.memory_space<vmem>>, %arg7: memref<512x64xf32, #tpu.memory_space<vmem>>, %arg8: memref<!tpu.dma_semaphore, #tpu.memory_space<semaphore_mem>>, %arg9: memref<!tpu.dma_semaphore, #tpu.memory_space<semaphore_mem>>) attributes {dimension_semantics = [#tpu.dimension_semantics<core_parallel>, #tpu.dimension_semantics<subcore_parallel>], iteration_bounds = array<i64: 2, 16>, scalar_prefetch = 0 : i64, scratch_operands = 5 : i64, tpu.core_type = #tpu.core_type<sc_vector_subcore>, window_params = [{transform_indices = #map}, {transform_indices = #map1}, {transform_indices = #map1}]} {
    %mul3A = arith.constant 2 : i32
    %mul3A_0 = arith.muli %arg1, %mul3A : i32
    %add3A = arith.addi %mul3A_0, %arg0 : i32
    %mul3A_1 = arith.constant 512 : i32
    %mul3A_2 = arith.muli %add3A, %mul3A_1 : i32
    "tpu.region"() ({
      %run_scoped3A = tpu.sem_alloc : memref<!tpu.dma_semaphore, #tpu.memory_space<semaphore_mem>>
      %dma_start3A_68 = tpu.memref_slice %arg2[%mul3A_2] : memref<16384xi32, #tpu.memory_space<hbm>> -> memref<512xi32, #tpu.memory_space<hbm>>
      %dma_start3A_69 = tpu.memref_slice %arg2[%mul3A_2] : memref<16384xi32, #tpu.memory_space<hbm>> -> memref<512xi32, #tpu.memory_space<hbm>>
      tpu.enqueue_dma source(%dma_start3A_69 : memref<512xi32, #tpu.memory_space<hbm>>) target(%arg6 : memref<512xi32, #tpu.memory_space<vmem>>) target_semaphore(%run_scoped3A : memref<!tpu.dma_semaphore, #tpu.memory_space<semaphore_mem>>)
      %dma_wait3A_70 = tpu.memref_slice %arg2[%mul3A_2] : memref<16384xi32, #tpu.memory_space<hbm>> -> memref<512xi32, #tpu.memory_space<hbm>>
      %dma_wait3A_71 = tpu.memref_slice %arg2[%mul3A_2] : memref<16384xi32, #tpu.memory_space<hbm>> -> memref<512xi32, #tpu.memory_space<hbm>>
      tpu.wait_dma2 semaphore(%run_scoped3A : memref<!tpu.dma_semaphore, #tpu.memory_space<semaphore_mem>>) src(%dma_wait3A_71 : memref<512xi32, #tpu.memory_space<hbm>>) dst(%arg6 : memref<512xi32, #tpu.memory_space<vmem>>)
      tpu.yield
    }) : () -> ()
    %scan3A = arith.constant 0 : i32
    %scan3A_3 = arith.constant 32 : i32
    %scan3A_4 = arith.addi %scan3A, %scan3A_3 : i32
    %scan3A_5 = arith.constant 1 : i32
    scf.for %scan3A_68 = %scan3A to %scan3A_4 step %scan3A_5  : i32 {
      %mul3A_69 = arith.constant 1 : i32
      %mul3A_70 = arith.muli %scan3A_68, %mul3A_69 : i32
      %add3A_71 = arith.constant 0 : i32
      %add3A_72 = arith.addi %add3A_71, %mul3A_70 : i32
      %mul3A_73 = arith.constant 16 : i32
      %mul3A_74 = arith.muli %add3A_72, %mul3A_73 : i32
      %get3A = arith.index_cast %mul3A_74 : i32 to index
      %get3A_75 = tpu.vector_load %arg6[%get3A] {strides = array<i32>} : memref<512xi32, #tpu.memory_space<vmem>>, vector<16xi32>,
      %get3A_76 = vector.shape_cast %get3A_75 : vector<16xi32> to vector<16xi32>
      %slice3A = vector.extract_strided_slice %get3A_76 {offsets = [0], sizes = [1], strides = [1]} : vector<16xi32> to vector<1xi32>
      %squeeze3A = vector.extract %slice3A[0] : i32 from vector<1xi32>
      %mul3A_77 = arith.constant 16 : i32
      %mul3A_78 = arith.muli %add3A_72, %mul3A_77 : i32
      %add3A_79 = arith.constant 0 : i32
      %add3A_80 = arith.addi %mul3A_78, %add3A_79 : i32
      %swap3A = arith.index_cast %add3A_80 : i32 to index
      %swap3A_81 = memref.load %arg5[%swap3A] : memref<512xi32, #tpu.memory_space<smem>>
      memref.store %squeeze3A, %arg5[%swap3A] : memref<512xi32, #tpu.memory_space<smem>>
      %slice3A_82 = vector.extract_strided_slice %get3A_76 {offsets = [1], sizes = [1], strides = [1]} : vector<16xi32> to vector<1xi32>
      %squeeze3A_83 = vector.extract %slice3A_82[0] : i32 from vector<1xi32>
      %mul3A_84 = arith.constant 16 : i32
      %mul3A_85 = arith.muli %add3A_72, %mul3A_84 : i32
      %add3A_86 = arith.constant 1 : i32
      %add3A_87 = arith.addi %mul3A_85, %add3A_86 : i32
      %swap3A_88 = arith.index_cast %add3A_87 : i32 to index
      %swap3A_89 = memref.load %arg5[%swap3A_88] : memref<512xi32, #tpu.memory_space<smem>>
      memref.store %squeeze3A_83, %arg5[%swap3A_88] : memref<512xi32, #tpu.memory_space<smem>>
      %slice3A_90 = vector.extract_strided_slice %get3A_76 {offsets = [2], sizes = [1], strides = [1]} : vector<16xi32> to vector<1xi32>
      %squeeze3A_91 = vector.extract %slice3A_90[0] : i32 from vector<1xi32>
      %mul3A_92 = arith.constant 16 : i32
      %mul3A_93 = arith.muli %add3A_72, %mul3A_92 : i32
      %add3A_94 = arith.constant 2 : i32
      %add3A_95 = arith.addi %mul3A_93, %add3A_94 : i32
      %swap3A_96 = arith.index_cast %add3A_95 : i32 to index
      %swap3A_97 = memref.load %arg5[%swap3A_96] : memref<512xi32, #tpu.memory_space<smem>>
      memref.store %squeeze3A_91, %arg5[%swap3A_96] : memref<512xi32, #tpu.memory_space<smem>>
      %slice3A_98 = vector.extract_strided_slice %get3A_76 {offsets = [3], sizes = [1], strides = [1]} : vector<16xi32> to vector<1xi32>
      %squeeze3A_99 = vector.extract %slice3A_98[0] : i32 from vector<1xi32>
      %mul3A_100 = arith.constant 16 : i32
      %mul3A_101 = arith.muli %add3A_72, %mul3A_100 : i32
      %add3A_102 = arith.constant 3 : i32
      %add3A_103 = arith.addi %mul3A_101, %add3A_102 : i32
      %swap3A_104 = arith.index_cast %add3A_103 : i32 to index
      %swap3A_105 = memref.load %arg5[%swap3A_104] : memref<512xi32, #tpu.memory_space<smem>>
      memref.store %squeeze3A_99, %arg5[%swap3A_104] : memref<512xi32, #tpu.memory_space<smem>>
      %slice3A_106 = vector.extract_strided_slice %get3A_76 {offsets = [4], sizes = [1], strides = [1]} : vector<16xi32> to vector<1xi32>
      %squeeze3A_107 = vector.extract %slice3A_106[0] : i32 from vector<1xi32>
      %mul3A_108 = arith.constant 16 : i32
      %mul3A_109 = arith.muli %add3A_72, %mul3A_108 : i32
      %add3A_110 = arith.constant 4 : i32
      %add3A_111 = arith.addi %mul3A_109, %add3A_110 : i32
      %swap3A_112 = arith.index_cast %add3A_111 : i32 to index
      %swap3A_113 = memref.load %arg5[%swap3A_112] : memref<512xi32, #tpu.memory_space<smem>>
      memref.store %squeeze3A_107, %arg5[%swap3A_112] : memref<512xi32, #tpu.memory_space<smem>>
      %slice3A_114 = vector.extract_strided_slice %get3A_76 {offsets = [5], sizes = [1], strides = [1]} : vector<16xi32> to vector<1xi32>
      %squeeze3A_115 = vector.extract %slice3A_114[0] : i32 from vector<1xi32>
      %mul3A_116 = arith.constant 16 : i32
      %mul3A_117 = arith.muli %add3A_72, %mul3A_116 : i32
      %add3A_118 = arith.constant 5 : i32
      %add3A_119 = arith.addi %mul3A_117, %add3A_118 : i32
      %swap3A_120 = arith.index_cast %add3A_119 : i32 to index
      %swap3A_121 = memref.load %arg5[%swap3A_120] : memref<512xi32, #tpu.memory_space<smem>>
      memref.store %squeeze3A_115, %arg5[%swap3A_120] : memref<512xi32, #tpu.memory_space<smem>>
      %slice3A_122 = vector.extract_strided_slice %get3A_76 {offsets = [6], sizes = [1], strides = [1]} : vector<16xi32> to vector<1xi32>
      %squeeze3A_123 = vector.extract %slice3A_122[0] : i32 from vector<1xi32>
      %mul3A_124 = arith.constant 16 : i32
      %mul3A_125 = arith.muli %add3A_72, %mul3A_124 : i32
      %add3A_126 = arith.constant 6 : i32
      %add3A_127 = arith.addi %mul3A_125, %add3A_126 : i32
      %swap3A_128 = arith.index_cast %add3A_127 : i32 to index
      %swap3A_129 = memref.load %arg5[%swap3A_128] : memref<512xi32, #tpu.memory_space<smem>>
      memref.store %squeeze3A_123, %arg5[%swap3A_128] : memref<512xi32, #tpu.memory_space<smem>>
      %slice3A_130 = vector.extract_strided_slice %get3A_76 {offsets = [7], sizes = [1], strides = [1]} : vector<16xi32> to vector<1xi32>
      %squeeze3A_131 = vector.extract %slice3A_130[0] : i32 from vector<1xi32>
      %mul3A_132 = arith.constant 16 : i32
      %mul3A_133 = arith.muli %add3A_72, %mul3A_132 : i32
      %add3A_134 = arith.constant 7 : i32
      %add3A_135 = arith.addi %mul3A_133, %add3A_134 : i32
      %swap3A_136 = arith.index_cast %add3A_135 : i32 to index
      %swap3A_137 = memref.load %arg5[%swap3A_136] : memref<512xi32, #tpu.memory_space<smem>>
      memref.store %squeeze3A_131, %arg5[%swap3A_136] : memref<512xi32, #tpu.memory_space<smem>>
      %slice3A_138 = vector.extract_strided_slice %get3A_76 {offsets = [8], sizes = [1], strides = [1]} : vector<16xi32> to vector<1xi32>
      %squeeze3A_139 = vector.extract %slice3A_138[0] : i32 from vector<1xi32>
      %mul3A_140 = arith.constant 16 : i32
      %mul3A_141 = arith.muli %add3A_72, %mul3A_140 : i32
      %add3A_142 = arith.constant 8 : i32
      %add3A_143 = arith.addi %mul3A_141, %add3A_142 : i32
      %swap3A_144 = arith.index_cast %add3A_143 : i32 to index
      %swap3A_145 = memref.load %arg5[%swap3A_144] : memref<512xi32, #tpu.memory_space<smem>>
      memref.store %squeeze3A_139, %arg5[%swap3A_144] : memref<512xi32, #tpu.memory_space<smem>>
      %slice3A_146 = vector.extract_strided_slice %get3A_76 {offsets = [9], sizes = [1], strides = [1]} : vector<16xi32> to vector<1xi32>
      %squeeze3A_147 = vector.extract %slice3A_146[0] : i32 from vector<1xi32>
      %mul3A_148 = arith.constant 16 : i32
      %mul3A_149 = arith.muli %add3A_72, %mul3A_148 : i32
      %add3A_150 = arith.constant 9 : i32
      %add3A_151 = arith.addi %mul3A_149, %add3A_150 : i32
      %swap3A_152 = arith.index_cast %add3A_151 : i32 to index
      %swap3A_153 = memref.load %arg5[%swap3A_152] : memref<512xi32, #tpu.memory_space<smem>>
      memref.store %squeeze3A_147, %arg5[%swap3A_152] : memref<512xi32, #tpu.memory_space<smem>>
      %slice3A_154 = vector.extract_strided_slice %get3A_76 {offsets = [10], sizes = [1], strides = [1]} : vector<16xi32> to vector<1xi32>
      %squeeze3A_155 = vector.extract %slice3A_154[0] : i32 from vector<1xi32>
      %mul3A_156 = arith.constant 16 : i32
      %mul3A_157 = arith.muli %add3A_72, %mul3A_156 : i32
      %add3A_158 = arith.constant 10 : i32
      %add3A_159 = arith.addi %mul3A_157, %add3A_158 : i32
      %swap3A_160 = arith.index_cast %add3A_159 : i32 to index
      %swap3A_161 = memref.load %arg5[%swap3A_160] : memref<512xi32, #tpu.memory_space<smem>>
      memref.store %squeeze3A_155, %arg5[%swap3A_160] : memref<512xi32, #tpu.memory_space<smem>>
      %slice3A_162 = vector.extract_strided_slice %get3A_76 {offsets = [11], sizes = [1], strides = [1]} : vector<16xi32> to vector<1xi32>
      %squeeze3A_163 = vector.extract %slice3A_162[0] : i32 from vector<1xi32>
      %mul3A_164 = arith.constant 16 : i32
      %mul3A_165 = arith.muli %add3A_72, %mul3A_164 : i32
      %add3A_166 = arith.constant 11 : i32
      %add3A_167 = arith.addi %mul3A_165, %add3A_166 : i32
      %swap3A_168 = arith.index_cast %add3A_167 : i32 to index
      %swap3A_169 = memref.load %arg5[%swap3A_168] : memref<512xi32, #tpu.memory_space<smem>>
      memref.store %squeeze3A_163, %arg5[%swap3A_168] : memref<512xi32, #tpu.memory_space<smem>>
      %slice3A_170 = vector.extract_strided_slice %get3A_76 {offsets = [12], sizes = [1], strides = [1]} : vector<16xi32> to vector<1xi32>
      %squeeze3A_171 = vector.extract %slice3A_170[0] : i32 from vector<1xi32>
      %mul3A_172 = arith.constant 16 : i32
      %mul3A_173 = arith.muli %add3A_72, %mul3A_172 : i32
      %add3A_174 = arith.constant 12 : i32
      %add3A_175 = arith.addi %mul3A_173, %add3A_174 : i32
      %swap3A_176 = arith.index_cast %add3A_175 : i32 to index
      %swap3A_177 = memref.load %arg5[%swap3A_176] : memref<512xi32, #tpu.memory_space<smem>>
      memref.store %squeeze3A_171, %arg5[%swap3A_176] : memref<512xi32, #tpu.memory_space<smem>>
      %slice3A_178 = vector.extract_strided_slice %get3A_76 {offsets = [13], sizes = [1], strides = [1]} : vector<16xi32> to vector<1xi32>
      %squeeze3A_179 = vector.extract %slice3A_178[0] : i32 from vector<1xi32>
      %mul3A_180 = arith.constant 16 : i32
      %mul3A_181 = arith.muli %add3A_72, %mul3A_180 : i32
      %add3A_182 = arith.constant 13 : i32
      %add3A_183 = arith.addi %mul3A_181, %add3A_182 : i32
      %swap3A_184 = arith.index_cast %add3A_183 : i32 to index
      %swap3A_185 = memref.load %arg5[%swap3A_184] : memref<512xi32, #tpu.memory_space<smem>>
      memref.store %squeeze3A_179, %arg5[%swap3A_184] : memref<512xi32, #tpu.memory_space<smem>>
      %slice3A_186 = vector.extract_strided_slice %get3A_76 {offsets = [14], sizes = [1], strides = [1]} : vector<16xi32> to vector<1xi32>
      %squeeze3A_187 = vector.extract %slice3A_186[0] : i32 from vector<1xi32>
      %mul3A_188 = arith.constant 16 : i32
      %mul3A_189 = arith.muli %add3A_72, %mul3A_188 : i32
      %add3A_190 = arith.constant 14 : i32
      %add3A_191 = arith.addi %mul3A_189, %add3A_190 : i32
      %swap3A_192 = arith.index_cast %add3A_191 : i32 to index
      %swap3A_193 = memref.load %arg5[%swap3A_192] : memref<512xi32, #tpu.memory_space<smem>>
      memref.store %squeeze3A_187, %arg5[%swap3A_192] : memref<512xi32, #tpu.memory_space<smem>>
      %slice3A_194 = vector.extract_strided_slice %get3A_76 {offsets = [15], sizes = [1], strides = [1]} : vector<16xi32> to vector<1xi32>
      %squeeze3A_195 = vector.extract %slice3A_194[0] : i32 from vector<1xi32>
      %mul3A_196 = arith.constant 16 : i32
      %mul3A_197 = arith.muli %add3A_72, %mul3A_196 : i32
      %add3A_198 = arith.constant 15 : i32
      %add3A_199 = arith.addi %mul3A_197, %add3A_198 : i32
      %swap3A_200 = arith.index_cast %add3A_199 : i32 to index
      %swap3A_201 = memref.load %arg5[%swap3A_200] : memref<512xi32, #tpu.memory_space<smem>>
      memref.store %squeeze3A_195, %arg5[%swap3A_200] : memref<512xi32, #tpu.memory_space<smem>>
    }
    %scan3A_6 = arith.constant 32 : i32
    %scan3A_7 = arith.constant 0 : i32
    %scan3A_8 = arith.constant 64 : i32
    %scan3A_9 = arith.addi %scan3A_7, %scan3A_8 : i32
    %scan3A_10 = arith.constant 1 : i32
    scf.for %scan3A_68 = %scan3A_7 to %scan3A_9 step %scan3A_10  : i32 {
      %mul3A_69 = arith.constant 1 : i32
      %mul3A_70 = arith.muli %scan3A_68, %mul3A_69 : i32
      %add3A_71 = arith.constant 0 : i32
      %add3A_72 = arith.addi %add3A_71, %mul3A_70 : i32
      %mul3A_73 = arith.constant 8 : i32
      %mul3A_74 = arith.muli %add3A_72, %mul3A_73 : i32
      %add3A_75 = arith.constant 0 : i32
      %add3A_76 = arith.addi %mul3A_74, %add3A_75 : i32
      %get3A = arith.index_cast %add3A_76 : i32 to index
      %get3A_77 = memref.load %arg5[%get3A] : memref<512xi32, #tpu.memory_space<smem>>
      %dma_start3A_78 = arith.constant 0 : i32
      %dma_start3A_79 = tpu.memref_slice %arg7[%add3A_76, %dma_start3A_78] : memref<512x64xf32, #tpu.memory_space<vmem>> -> memref<1x64xf32, #tpu.memory_space<vmem>>
      %dma_start3A_80 = arith.constant 0 : i32
      %dma_start3A_81 = tpu.memref_slice %arg3[%get3A_77, %dma_start3A_80] : memref<1000000x64xf32, #tpu.memory_space<hbm>> -> memref<1x64xf32, #tpu.memory_space<hbm>>
      %dma_start3A_82 = arith.constant 0 : i32
      %dma_start3A_83 = tpu.memref_slice %arg7[%add3A_76, %dma_start3A_82] : memref<512x64xf32, #tpu.memory_space<vmem>> -> memref<1x64xf32, #tpu.memory_space<vmem>>
      %dma_start3A_84 = arith.constant 0 : i32
      %dma_start3A_85 = tpu.memref_slice %arg3[%get3A_77, %dma_start3A_84] : memref<1000000x64xf32, #tpu.memory_space<hbm>> -> memref<1x64xf32, #tpu.memory_space<hbm>>
      tpu.enqueue_dma source(%dma_start3A_85 : memref<1x64xf32, #tpu.memory_space<hbm>>) target(%dma_start3A_83 : memref<1x64xf32, #tpu.memory_space<vmem>>) target_semaphore(%arg8 : memref<!tpu.dma_semaphore, #tpu.memory_space<semaphore_mem>>)
      %mul3A_86 = arith.constant 8 : i32
      %mul3A_87 = arith.muli %add3A_72, %mul3A_86 : i32
      %add3A_88 = arith.constant 1 : i32
      %add3A_89 = arith.addi %mul3A_87, %add3A_88 : i32
      %get3A_90 = arith.index_cast %add3A_89 : i32 to index
      %get3A_91 = memref.load %arg5[%get3A_90] : memref<512xi32, #tpu.memory_space<smem>>
      %dma_start3A_92 = arith.constant 0 : i32
      %dma_start3A_93 = tpu.memref_slice %arg7[%add3A_89, %dma_start3A_92] : memref<512x64xf32, #tpu.memory_space<vmem>> -> memref<1x64xf32, #tpu.memory_space<vmem>>
      %dma_start3A_94 = arith.constant 0 : i32
      %dma_start3A_95 = tpu.memref_slice %arg3[%get3A_91, %dma_start3A_94] : memref<1000000x64xf32, #tpu.memory_space<hbm>> -> memref<1x64xf32, #tpu.memory_space<hbm>>
      %dma_start3A_96 = arith.constant 0 : i32
      %dma_start3A_97 = tpu.memref_slice %arg7[%add3A_89, %dma_start3A_96] : memref<512x64xf32, #tpu.memory_space<vmem>> -> memref<1x64xf32, #tpu.memory_space<vmem>>
      %dma_start3A_98 = arith.constant 0 : i32
      %dma_start3A_99 = tpu.memref_slice %arg3[%get3A_91, %dma_start3A_98] : memref<1000000x64xf32, #tpu.memory_space<hbm>> -> memref<1x64xf32, #tpu.memory_space<hbm>>
      tpu.enqueue_dma source(%dma_start3A_99 : memref<1x64xf32, #tpu.memory_space<hbm>>) target(%dma_start3A_97 : memref<1x64xf32, #tpu.memory_space<vmem>>) target_semaphore(%arg8 : memref<!tpu.dma_semaphore, #tpu.memory_space<semaphore_mem>>)
      %mul3A_100 = arith.constant 8 : i32
      %mul3A_101 = arith.muli %add3A_72, %mul3A_100 : i32
      %add3A_102 = arith.constant 2 : i32
      %add3A_103 = arith.addi %mul3A_101, %add3A_102 : i32
      %get3A_104 = arith.index_cast %add3A_103 : i32 to index
      %get3A_105 = memref.load %arg5[%get3A_104] : memref<512xi32, #tpu.memory_space<smem>>
      %dma_start3A_106 = arith.constant 0 : i32
      %dma_start3A_107 = tpu.memref_slice %arg7[%add3A_103, %dma_start3A_106] : memref<512x64xf32, #tpu.memory_space<vmem>> -> memref<1x64xf32, #tpu.memory_space<vmem>>
      %dma_start3A_108 = arith.constant 0 : i32
      %dma_start3A_109 = tpu.memref_slice %arg3[%get3A_105, %dma_start3A_108] : memref<1000000x64xf32, #tpu.memory_space<hbm>> -> memref<1x64xf32, #tpu.memory_space<hbm>>
      %dma_start3A_110 = arith.constant 0 : i32
      %dma_start3A_111 = tpu.memref_slice %arg7[%add3A_103, %dma_start3A_110] : memref<512x64xf32, #tpu.memory_space<vmem>> -> memref<1x64xf32, #tpu.memory_space<vmem>>
      %dma_start3A_112 = arith.constant 0 : i32
      %dma_start3A_113 = tpu.memref_slice %arg3[%get3A_105, %dma_start3A_112] : memref<1000000x64xf32, #tpu.memory_space<hbm>> -> memref<1x64xf32, #tpu.memory_space<hbm>>
      tpu.enqueue_dma source(%dma_start3A_113 : memref<1x64xf32, #tpu.memory_space<hbm>>) target(%dma_start3A_111 : memref<1x64xf32, #tpu.memory_space<vmem>>) target_semaphore(%arg8 : memref<!tpu.dma_semaphore, #tpu.memory_space<semaphore_mem>>)
      %mul3A_114 = arith.constant 8 : i32
      %mul3A_115 = arith.muli %add3A_72, %mul3A_114 : i32
      %add3A_116 = arith.constant 3 : i32
      %add3A_117 = arith.addi %mul3A_115, %add3A_116 : i32
      %get3A_118 = arith.index_cast %add3A_117 : i32 to index
      %get3A_119 = memref.load %arg5[%get3A_118] : memref<512xi32, #tpu.memory_space<smem>>
      %dma_start3A_120 = arith.constant 0 : i32
      %dma_start3A_121 = tpu.memref_slice %arg7[%add3A_117, %dma_start3A_120] : memref<512x64xf32, #tpu.memory_space<vmem>> -> memref<1x64xf32, #tpu.memory_space<vmem>>
      %dma_start3A_122 = arith.constant 0 : i32
      %dma_start3A_123 = tpu.memref_slice %arg3[%get3A_119, %dma_start3A_122] : memref<1000000x64xf32, #tpu.memory_space<hbm>> -> memref<1x64xf32, #tpu.memory_space<hbm>>
      %dma_start3A_124 = arith.constant 0 : i32
      %dma_start3A_125 = tpu.memref_slice %arg7[%add3A_117, %dma_start3A_124] : memref<512x64xf32, #tpu.memory_space<vmem>> -> memref<1x64xf32, #tpu.memory_space<vmem>>
      %dma_start3A_126 = arith.constant 0 : i32
      %dma_start3A_127 = tpu.memref_slice %arg3[%get3A_119, %dma_start3A_126] : memref<1000000x64xf32, #tpu.memory_space<hbm>> -> memref<1x64xf32, #tpu.memory_space<hbm>>
      tpu.enqueue_dma source(%dma_start3A_127 : memref<1x64xf32, #tpu.memory_space<hbm>>) target(%dma_start3A_125 : memref<1x64xf32, #tpu.memory_space<vmem>>) target_semaphore(%arg8 : memref<!tpu.dma_semaphore, #tpu.memory_space<semaphore_mem>>)
      %mul3A_128 = arith.constant 8 : i32
      %mul3A_129 = arith.muli %add3A_72, %mul3A_128 : i32
      %add3A_130 = arith.constant 4 : i32
      %add3A_131 = arith.addi %mul3A_129, %add3A_130 : i32
      %get3A_132 = arith.index_cast %add3A_131 : i32 to index
      %get3A_133 = memref.load %arg5[%get3A_132] : memref<512xi32, #tpu.memory_space<smem>>
      %dma_start3A_134 = arith.constant 0 : i32
      %dma_start3A_135 = tpu.memref_slice %arg7[%add3A_131, %dma_start3A_134] : memref<512x64xf32, #tpu.memory_space<vmem>> -> memref<1x64xf32, #tpu.memory_space<vmem>>
      %dma_start3A_136 = arith.constant 0 : i32
      %dma_start3A_137 = tpu.memref_slice %arg3[%get3A_133, %dma_start3A_136] : memref<1000000x64xf32, #tpu.memory_space<hbm>> -> memref<1x64xf32, #tpu.memory_space<hbm>>
      %dma_start3A_138 = arith.constant 0 : i32
      %dma_start3A_139 = tpu.memref_slice %arg7[%add3A_131, %dma_start3A_138] : memref<512x64xf32, #tpu.memory_space<vmem>> -> memref<1x64xf32, #tpu.memory_space<vmem>>
      %dma_start3A_140 = arith.constant 0 : i32
      %dma_start3A_141 = tpu.memref_slice %arg3[%get3A_133, %dma_start3A_140] : memref<1000000x64xf32, #tpu.memory_space<hbm>> -> memref<1x64xf32, #tpu.memory_space<hbm>>
      tpu.enqueue_dma source(%dma_start3A_141 : memref<1x64xf32, #tpu.memory_space<hbm>>) target(%dma_start3A_139 : memref<1x64xf32, #tpu.memory_space<vmem>>) target_semaphore(%arg8 : memref<!tpu.dma_semaphore, #tpu.memory_space<semaphore_mem>>)
      %mul3A_142 = arith.constant 8 : i32
      %mul3A_143 = arith.muli %add3A_72, %mul3A_142 : i32
      %add3A_144 = arith.constant 5 : i32
      %add3A_145 = arith.addi %mul3A_143, %add3A_144 : i32
      %get3A_146 = arith.index_cast %add3A_145 : i32 to index
      %get3A_147 = memref.load %arg5[%get3A_146] : memref<512xi32, #tpu.memory_space<smem>>
      %dma_start3A_148 = arith.constant 0 : i32
      %dma_start3A_149 = tpu.memref_slice %arg7[%add3A_145, %dma_start3A_148] : memref<512x64xf32, #tpu.memory_space<vmem>> -> memref<1x64xf32, #tpu.memory_space<vmem>>
      %dma_start3A_150 = arith.constant 0 : i32
      %dma_start3A_151 = tpu.memref_slice %arg3[%get3A_147, %dma_start3A_150] : memref<1000000x64xf32, #tpu.memory_space<hbm>> -> memref<1x64xf32, #tpu.memory_space<hbm>>
      %dma_start3A_152 = arith.constant 0 : i32
      %dma_start3A_153 = tpu.memref_slice %arg7[%add3A_145, %dma_start3A_152] : memref<512x64xf32, #tpu.memory_space<vmem>> -> memref<1x64xf32, #tpu.memory_space<vmem>>
      %dma_start3A_154 = arith.constant 0 : i32
      %dma_start3A_155 = tpu.memref_slice %arg3[%get3A_147, %dma_start3A_154] : memref<1000000x64xf32, #tpu.memory_space<hbm>> -> memref<1x64xf32, #tpu.memory_space<hbm>>
      tpu.enqueue_dma source(%dma_start3A_155 : memref<1x64xf32, #tpu.memory_space<hbm>>) target(%dma_start3A_153 : memref<1x64xf32, #tpu.memory_space<vmem>>) target_semaphore(%arg8 : memref<!tpu.dma_semaphore, #tpu.memory_space<semaphore_mem>>)
      %mul3A_156 = arith.constant 8 : i32
      %mul3A_157 = arith.muli %add3A_72, %mul3A_156 : i32
      %add3A_158 = arith.constant 6 : i32
      %add3A_159 = arith.addi %mul3A_157, %add3A_158 : i32
      %get3A_160 = arith.index_cast %add3A_159 : i32 to index
      %get3A_161 = memref.load %arg5[%get3A_160] : memref<512xi32, #tpu.memory_space<smem>>
      %dma_start3A_162 = arith.constant 0 : i32
      %dma_start3A_163 = tpu.memref_slice %arg7[%add3A_159, %dma_start3A_162] : memref<512x64xf32, #tpu.memory_space<vmem>> -> memref<1x64xf32, #tpu.memory_space<vmem>>
      %dma_start3A_164 = arith.constant 0 : i32
      %dma_start3A_165 = tpu.memref_slice %arg3[%get3A_161, %dma_start3A_164] : memref<1000000x64xf32, #tpu.memory_space<hbm>> -> memref<1x64xf32, #tpu.memory_space<hbm>>
      %dma_start3A_166 = arith.constant 0 : i32
      %dma_start3A_167 = tpu.memref_slice %arg7[%add3A_159, %dma_start3A_166] : memref<512x64xf32, #tpu.memory_space<vmem>> -> memref<1x64xf32, #tpu.memory_space<vmem>>
      %dma_start3A_168 = arith.constant 0 : i32
      %dma_start3A_169 = tpu.memref_slice %arg3[%get3A_161, %dma_start3A_168] : memref<1000000x64xf32, #tpu.memory_space<hbm>> -> memref<1x64xf32, #tpu.memory_space<hbm>>
      tpu.enqueue_dma source(%dma_start3A_169 : memref<1x64xf32, #tpu.memory_space<hbm>>) target(%dma_start3A_167 : memref<1x64xf32, #tpu.memory_space<vmem>>) target_semaphore(%arg8 : memref<!tpu.dma_semaphore, #tpu.memory_space<semaphore_mem>>)
      %mul3A_170 = arith.constant 8 : i32
      %mul3A_171 = arith.muli %add3A_72, %mul3A_170 : i32
      %add3A_172 = arith.constant 7 : i32
      %add3A_173 = arith.addi %mul3A_171, %add3A_172 : i32
      %get3A_174 = arith.index_cast %add3A_173 : i32 to index
      %get3A_175 = memref.load %arg5[%get3A_174] : memref<512xi32, #tpu.memory_space<smem>>
      %dma_start3A_176 = arith.constant 0 : i32
      %dma_start3A_177 = tpu.memref_slice %arg7[%add3A_173, %dma_start3A_176] : memref<512x64xf32, #tpu.memory_space<vmem>> -> memref<1x64xf32, #tpu.memory_space<vmem>>
      %dma_start3A_178 = arith.constant 0 : i32
      %dma_start3A_179 = tpu.memref_slice %arg3[%get3A_175, %dma_start3A_178] : memref<1000000x64xf32, #tpu.memory_space<hbm>> -> memref<1x64xf32, #tpu.memory_space<hbm>>
      %dma_start3A_180 = arith.constant 0 : i32
      %dma_start3A_181 = tpu.memref_slice %arg7[%add3A_173, %dma_start3A_180] : memref<512x64xf32, #tpu.memory_space<vmem>> -> memref<1x64xf32, #tpu.memory_space<vmem>>
      %dma_start3A_182 = arith.constant 0 : i32
      %dma_start3A_183 = tpu.memref_slice %arg3[%get3A_175, %dma_start3A_182] : memref<1000000x64xf32, #tpu.memory_space<hbm>> -> memref<1x64xf32, #tpu.memory_space<hbm>>
      tpu.enqueue_dma source(%dma_start3A_183 : memref<1x64xf32, #tpu.memory_space<hbm>>) target(%dma_start3A_181 : memref<1x64xf32, #tpu.memory_space<vmem>>) target_semaphore(%arg8 : memref<!tpu.dma_semaphore, #tpu.memory_space<semaphore_mem>>)
    }
    %scan3A_11 = arith.constant 64 : i32
    %dma_wait3A = arith.constant 0 : i32
    %dma_wait3A_12 = arith.constant 0 : i32
    %dma_wait3A_13 = tpu.memref_slice %arg3[%dma_wait3A, %dma_wait3A_12] : memref<1000000x64xf32, #tpu.memory_space<hbm>> -> memref<512x64xf32, #tpu.memory_space<hbm>>
    %dma_wait3A_14 = arith.constant 0 : i32
    %dma_wait3A_15 = arith.constant 0 : i32
    %dma_wait3A_16 = tpu.memref_slice %arg3[%dma_wait3A_14, %dma_wait3A_15] : memref<1000000x64xf32, #tpu.memory_space<hbm>> -> memref<512x64xf32, #tpu.memory_space<hbm>>
    tpu.wait_dma2 semaphore(%arg8 : memref<!tpu.dma_semaphore, #tpu.memory_space<semaphore_mem>>) src(%dma_wait3A_16 : memref<512x64xf32, #tpu.memory_space<hbm>>) dst(%arg7 : memref<512x64xf32, #tpu.memory_space<vmem>>)
    %add3A_17 = arith.constant 0 : i32
    %add3A_18 = arith.addi %mul3A_2, %add3A_17 : i32
    %dma_start3A = arith.constant 0 : i32
    %dma_start3A_19 = arith.constant 0 : i32
    %dma_start3A_20 = tpu.memref_slice %arg7[%dma_start3A, %dma_start3A_19] : memref<512x64xf32, #tpu.memory_space<vmem>> -> memref<128x64xf32, #tpu.memory_space<vmem>>
    %dma_start3A_21 = arith.constant 0 : i32
    %dma_start3A_22 = tpu.memref_slice %arg4[%add3A_18, %dma_start3A_21] : memref<16384x64xf32, #tpu.memory_space<hbm>> -> memref<128x64xf32, #tpu.memory_space<hbm>>
    %dma_start3A_23 = arith.constant 0 : i32
    %dma_start3A_24 = tpu.memref_slice %arg4[%add3A_18, %dma_start3A_23] : memref<16384x64xf32, #tpu.memory_space<hbm>> -> memref<128x64xf32, #tpu.memory_space<hbm>>
    %dma_start3A_25 = arith.constant 0 : i32
    %dma_start3A_26 = arith.constant 0 : i32
    %dma_start3A_27 = tpu.memref_slice %arg7[%dma_start3A_25, %dma_start3A_26] : memref<512x64xf32, #tpu.memory_space<vmem>> -> memref<128x64xf32, #tpu.memory_space<vmem>>
    tpu.enqueue_dma source(%dma_start3A_27 : memref<128x64xf32, #tpu.memory_space<vmem>>) target(%dma_start3A_24 : memref<128x64xf32, #tpu.memory_space<hbm>>) target_semaphore(%arg9 : memref<!tpu.dma_semaphore, #tpu.memory_space<semaphore_mem>>)
    %add3A_28 = arith.constant 128 : i32
    %add3A_29 = arith.addi %mul3A_2, %add3A_28 : i32
    %dma_start3A_30 = arith.constant 128 : i32
    %dma_start3A_31 = arith.constant 0 : i32
    %dma_start3A_32 = tpu.memref_slice %arg7[%dma_start3A_30, %dma_start3A_31] : memref<512x64xf32, #tpu.memory_space<vmem>> -> memref<128x64xf32, #tpu.memory_space<vmem>>
    %dma_start3A_33 = arith.constant 0 : i32
    %dma_start3A_34 = tpu.memref_slice %arg4[%add3A_29, %dma_start3A_33] : memref<16384x64xf32, #tpu.memory_space<hbm>> -> memref<128x64xf32, #tpu.memory_space<hbm>>
    %dma_start3A_35 = arith.constant 0 : i32
    %dma_start3A_36 = tpu.memref_slice %arg4[%add3A_29, %dma_start3A_35] : memref<16384x64xf32, #tpu.memory_space<hbm>> -> memref<128x64xf32, #tpu.memory_space<hbm>>
    %dma_start3A_37 = arith.constant 128 : i32
    %dma_start3A_38 = arith.constant 0 : i32
    %dma_start3A_39 = tpu.memref_slice %arg7[%dma_start3A_37, %dma_start3A_38] : memref<512x64xf32, #tpu.memory_space<vmem>> -> memref<128x64xf32, #tpu.memory_space<vmem>>
    tpu.enqueue_dma source(%dma_start3A_39 : memref<128x64xf32, #tpu.memory_space<vmem>>) target(%dma_start3A_36 : memref<128x64xf32, #tpu.memory_space<hbm>>) target_semaphore(%arg9 : memref<!tpu.dma_semaphore, #tpu.memory_space<semaphore_mem>>)
    %add3A_40 = arith.constant 256 : i32
    %add3A_41 = arith.addi %mul3A_2, %add3A_40 : i32
    %dma_start3A_42 = arith.constant 256 : i32
    %dma_start3A_43 = arith.constant 0 : i32
    %dma_start3A_44 = tpu.memref_slice %arg7[%dma_start3A_42, %dma_start3A_43] : memref<512x64xf32, #tpu.memory_space<vmem>> -> memref<128x64xf32, #tpu.memory_space<vmem>>
    %dma_start3A_45 = arith.constant 0 : i32
    %dma_start3A_46 = tpu.memref_slice %arg4[%add3A_41, %dma_start3A_45] : memref<16384x64xf32, #tpu.memory_space<hbm>> -> memref<128x64xf32, #tpu.memory_space<hbm>>
    %dma_start3A_47 = arith.constant 0 : i32
    %dma_start3A_48 = tpu.memref_slice %arg4[%add3A_41, %dma_start3A_47] : memref<16384x64xf32, #tpu.memory_space<hbm>> -> memref<128x64xf32, #tpu.memory_space<hbm>>
    %dma_start3A_49 = arith.constant 256 : i32
    %dma_start3A_50 = arith.constant 0 : i32
    %dma_start3A_51 = tpu.memref_slice %arg7[%dma_start3A_49, %dma_start3A_50] : memref<512x64xf32, #tpu.memory_space<vmem>> -> memref<128x64xf32, #tpu.memory_space<vmem>>
    tpu.enqueue_dma source(%dma_start3A_51 : memref<128x64xf32, #tpu.memory_space<vmem>>) target(%dma_start3A_48 : memref<128x64xf32, #tpu.memory_space<hbm>>) target_semaphore(%arg9 : memref<!tpu.dma_semaphore, #tpu.memory_space<semaphore_mem>>)
    %add3A_52 = arith.constant 384 : i32
    %add3A_53 = arith.addi %mul3A_2, %add3A_52 : i32
    %dma_start3A_54 = arith.constant 384 : i32
    %dma_start3A_55 = arith.constant 0 : i32
    %dma_start3A_56 = tpu.memref_slice %arg7[%dma_start3A_54, %dma_start3A_55] : memref<512x64xf32, #tpu.memory_space<vmem>> -> memref<128x64xf32, #tpu.memory_space<vmem>>
    %dma_start3A_57 = arith.constant 0 : i32
    %dma_start3A_58 = tpu.memref_slice %arg4[%add3A_53, %dma_start3A_57] : memref<16384x64xf32, #tpu.memory_space<hbm>> -> memref<128x64xf32, #tpu.memory_space<hbm>>
    %dma_start3A_59 = arith.constant 0 : i32
    %dma_start3A_60 = tpu.memref_slice %arg4[%add3A_53, %dma_start3A_59] : memref<16384x64xf32, #tpu.memory_space<hbm>> -> memref<128x64xf32, #tpu.memory_space<hbm>>
    %dma_start3A_61 = arith.constant 384 : i32
    %dma_start3A_62 = arith.constant 0 : i32
    %dma_start3A_63 = tpu.memref_slice %arg7[%dma_start3A_61, %dma_start3A_62] : memref<512x64xf32, #tpu.memory_space<vmem>> -> memref<128x64xf32, #tpu.memory_space<vmem>>
    tpu.enqueue_dma source(%dma_start3A_63 : memref<128x64xf32, #tpu.memory_space<vmem>>) target(%dma_start3A_60 : memref<128x64xf32, #tpu.memory_space<hbm>>) target_semaphore(%arg9 : memref<!tpu.dma_semaphore, #tpu.memory_space<semaphore_mem>>)
    %dma_wait3A_64 = arith.constant 0 : i32
    %dma_wait3A_65 = tpu.memref_slice %arg4[%mul3A_2, %dma_wait3A_64] : memref<16384x64xf32, #tpu.memory_space<hbm>> -> memref<512x64xf32, #tpu.memory_space<hbm>>
    %dma_wait3A_66 = arith.constant 0 : i32
    %dma_wait3A_67 = tpu.memref_slice %arg4[%mul3A_2, %dma_wait3A_66] : memref<16384x64xf32, #tpu.memory_space<hbm>> -> memref<512x64xf32, #tpu.memory_space<hbm>>
    tpu.wait_dma2 semaphore(%arg9 : memref<!tpu.dma_semaphore, #tpu.memory_space<semaphore_mem>>) src(%arg7 : memref<512x64xf32, #tpu.memory_space<vmem>>) dst(%dma_wait3A_67 : memref<512x64xf32, #tpu.memory_space<hbm>>)
    return
  }
}

</mosaic_0001>

<sc_bundles>
// kernel: kernel.4.cloned.1.call-start
scs
__scs_entry_jumppad:
0x0: {  	(pc) =	sbr.rel $0x88, $3  }
0x1: {  	(tag) =	ssettag $0x0;
	lr =	simm.s32 $0x1  }
0x2: {  	[smem:$0x3F9D] =	sst lr;
	_ =	strace $0xD0000000  }
0x3: {  	_ = 	snop  }
0x4: {  	_ = 	snop  }
0x5: {  	_ = 	snop  }
0x6: {  	_ = 	snop  }
0x7: {  	_ = 	snop  }
__scs_overlays_trampoline_lowered:
0x8: {  	[smem:$0x3FAC] =	sst s0  }
0x9: {  	[smem:$0x3FAD] =	sst s1  }
0xa: {  	[smem:$0x3FAE] =	sst s2  }
0xb: {  	[smem:$0x3FAF] =	sst s3  }
0xc: {  	[smem:$0x3FB0] =	sst s4  }
0xd: {  	[smem:$0x3FB1] =	sst s5  }
0xe: {  	[smem:$0x3FB2] =	sst s6  }
0xf: {  	[smem:$0x3FB3] =	sst s7  }
0x10: {  	[smem:$0x3FB4] =	sst s8  }
0x11: {  	[smem:$0x3FB5] =	sst s9;
	s0 =	simm.s32 @!p0 $0x0  }
0x12: {  	s1 =	sld [smem:$0x3F9B];
	s0 =	simm.s32 @p0 $0x1  }
0x13: {  	[smem:$0x3FB6] =	sst s0;
	s0 =	simm.s32 @!p1 $0x0  }
0x14: {  	s2 =	sld [smem:$0x3F9A];
	s0 =	simm.s32 @p1 $0x1  }
0x15: {  	[smem:$0x3FB7] =	sst s0;
	s0 =	simm.s32 @!p2 $0x0  }
0x16: {  	s3 =	sld [smem:$0x3FDB];
	s0 =	simm.s32 @p2 $0x1  }
0x17: {  	s4 =	simm.s32 $0x1BF5;
	[smem:$0x3FB9] =	sst s0  }
0x18: {  	s0 =	sld [smem:$0x3F9C];
	_ =	swait.ge [sflag:s4], $0x0  }
0x19: {  	s7 =	sld [smem:$0x3F9D]  }
0x1a: {  	s8 =	sadd.s32 $0xFFFFE003, lr  }
0x1b: {  	s9 =	sadd.s32 $0xFFFFFEF7, lr;
	s5 =	simm.s32 $0xFFFFFFFF;
	p2 =	slt.u32 s8, $0xFFFFF086  }
0x1c: {  	p1 =	slt.u32 s9, $0xF7A;
	s5 =	simm.s32 @!p2 $0x0  }
0x1d: {  	s5 =	simm.s32 @p1 $0x1;
	p0 =	seq.s32 s7, s2  }
0x1e: {  	s7 =	smul.u32 @!p0 $0xF7A, s2;
	p2 =	seq.s32 @!p0 s5, $0x0  }
0x1f: {  	s9 =	smul.u32 $0xF7A, s1;
	s8 =	simm.s32 @!p0 $0x1BF5;
	p2 =	por !p2, p0  }
0x20: {  	[sflag:s8] =	ssyncset.s32 @!p0 $0xFFFFF086;
	s6 =	sadd.s32 @!p0 s3, s7;
	s7 =	simm.s32 @!p0 $0x108  }
0x21: {  	s3 =	sadd.s32 s3, s9;
	s6 =	sadd.s32 @!p0 $0x88, s6;
	s7 =	simm.s32 @p2 $0x1082  }
0x22: {  	[simem:s7], [sflag:s8] =	dma.local @!p0 [hbm:s6], $0xF7A  }
0x23: {  	s9 =	sor.u32 $0xD0000000, s2;
	s6 =	simm.s32 $0x108;
	_ =	swait.ge @!p0 [sflag:s8], $0x0  }
0x24: {  	s3 =	sadd.s32 $0x88, s3;
	s6 =	simm.s32 @!p1 $0x1082;
	[sflag:s4] =	ssyncset.s32 $0xFFFFF086  }
0x25: {  	[simem:s6], [sflag:s4] =	dma.local [hbm:s3], $0xF7A  }
0x26: {  	[smem:$0x3F9D] =	sst s1;
	(tag) =	ssettag s2;
	_ =	strace s9  }
0x27: {  	s1 =	sld [smem:$0x3FAD]  }
0x28: {  	s2 =	sld [smem:$0x3FAE]  }
0x29: {  	s4 =	sld [smem:$0x3FB0]  }
0x2a: {  	p0 =	seq.s32 s5, $0x0;
	s5 =	sld [smem:$0x3FB1]  }
0x2b: {  	s6 =	sld [smem:$0x3FB2]  }
0x2c: {  	s7 =	sld [smem:$0x3FB3]  }
0x2d: {  	s3 =	simm.s32 $0x108;
	s8 =	sld [smem:$0x3FB4]  }
0x2e: {  	s3 =	simm.s32 @!p0 $0x1082;
	s9 =	sld [smem:$0x3FB5]  }
0x2f: {  	lr =	sadd.s32 s0, s3;
	s0 =	sld [smem:$0x3FAC]  }
0x30: {  	s3 =	sld [smem:$0x3FAF]  }
0x31: {  	[smem:$0x3FB8] =	sst s10  }
0x32: {  	s10 =	sld [smem:$0x3FB6];
	_ =	sdelay $0x3  }
0x33: {  	p0 =	seq.s32 s10, $0x1;
	s10 =	sld [smem:$0x3FB8];
	_ =	sdelay $0x3  }
0x34: {  	[smem:$0x3FB8] =	sst s10  }
0x35: {  	s10 =	sld [smem:$0x3FB7];
	_ =	sdelay $0x3  }
0x36: {  	p1 =	seq.s32 s10, $0x1;
	s10 =	sld [smem:$0x3FB8];
	_ =	sdelay $0x3  }
0x37: {  	[smem:$0x3FB8] =	sst s10  }
0x38: {  	s10 =	sld [smem:$0x3FB9]  }
0x39: {  	_ = 	snop;
	(pc) =	sbr.ind lr, $3  }
0x3a: {  	_ = 	snop  }
0x3b: {  	_ = 	snop  }
0x3c: {  	p2 =	seq.s32 s10, $0x1;
	s10 =	sld [smem:$0x3FB8]  }
0x3d: {  	_ =	shalt  }
0x3e: {  	_ =	shalt  }
0x3f: {  	_ =	shalt  }
0x40: {  	_ =	shalt  }
0x41: {  	_ =	shalt  }
0x42: {  	_ =	shalt  }
0x43: {  	_ =	shalt  }
0x44: {  	_ =	shalt  }
0x45: {  	_ =	shalt  }
0x46: {  	_ =	shalt  }
0x47: {  	_ =	shalt  }
0x48: {  	_ =	shalt  }
0x49: {  	_ =	shalt  }
0x4a: {  	_ =	shalt  }
0x4b: {  	_ =	shalt  }
0x4c: {  	_ =	shalt  }
0x4d: {  	_ =	shalt  }
0x4e: {  	_ =	shalt  }
0x4f: {  	_ =	shalt  }
0x50: {  	_ =	shalt  }
0x51: {  	_ =	shalt  }
0x52: {  	_ =	shalt  }
0x53: {  	_ =	shalt  }
0x54: {  	_ =	shalt  }
0x55: {  	_ =	shalt  }
0x56: {  	_ =	shalt  }
0x57: {  	_ =	shalt  }
0x58: {  	_ =	shalt  }
0x59: {  	_ =	shalt  }
0x5a: {  	_ =	shalt  }
0x5b: {  	_ =	shalt  }
0x5c: {  	_ =	shalt  }
0x5d: {  	_ =	shalt  }
0x5e: {  	_ =	shalt  }
0x5f: {  	_ =	shalt  }
0x60: {  	_ =	shalt  }
0x61: {  	_ =	shalt  }
0x62: {  	_ =	shalt  }
0x63: {  	_ =	shalt  }
0x64: {  	_ =	shalt  }
0x65: {  	_ =	shalt  }
0x66: {  	_ =	shalt  }
0x67: {  	_ =	shalt  }
0x68: {  	_ =	shalt  }
0x69: {  	_ =	shalt  }
0x6a: {  	_ =	shalt  }
0x6b: {  	_ =	shalt  }
0x6c: {  	_ =	shalt  }
0x6d: {  	_ =	shalt  }
0x6e: {  	_ =	shalt  }
0x6f: {  	_ =	shalt  }
0x70: {  	_ =	shalt  }
0x71: {  	_ =	shalt  }
0x72: {  	_ =	shalt  }
0x73: {  	_ =	shalt  }
0x74: {  	_ =	shalt  }
0x75: {  	_ =	shalt  }
0x76: {  	_ =	shalt  }
0x77: {  	_ =	shalt  }
0x78: {  	_ =	shalt  }
0x79: {  	_ =	shalt  }
0x7a: {  	_ =	shalt  }
0x7b: {  	_ =	shalt  }
0x7c: {  	_ =	shalt  }
0x7d: {  	_ =	shalt  }
0x7e: {  	_ =	shalt  }
0x7f: {  	_ =	shalt  }
0x80: {  	_ =	shalt  }
0x81: {  	_ =	shalt  }
0x82: {  	_ =	shalt  }
0x83: {  	_ =	shalt  }
0x84: {  	_ =	shalt  }
0x85: {  	_ =	shalt  }
0x86: {  	_ =	shalt  }
0x87: {  	_ =	shalt  }
.Lfunc_end0:
.L_simem_size_0:
called_computation_lowered:
.L_overlay_start_0:
0x88: {  	s2 =	sld [smem:$0x3FD9]  }
0x89: {  	s3 =	sld [smem:$0x3FFE];
	_ =	sdelay $0x1  }
0x8a: {  	s1 =	srdreg.scid  }
0x8b: {  	s0 =	sand.u32 $0x1, s1  }
0x8c: {  	s17 =	sshll.u32 s0, $0xA;
	s2 =	sadd.s32 s3, s2  }
0x8d: {  	s2 =	sadd.s32 s2, s17  }
0x8e: {  	[smem:$0x3FC4] =	sst s2  }
0x8f: {  	_ = 	snop  }
0x90: {  	s2 =	sld [smem:$0x3FC9];
	(tm) =	ssettm $0x1  }
0x91: {  	s18 =	sld [smem:$0x3FFB];
	_ =	sdelay $0x3  }
0x92: {  	_ =	strace s18  }
0x93: {  	s3 =	sld [smem:$0x3FFC];
	_ =	sdelay $0x3  }
0x94: {  	_ =	strace s3  }
0x95: {  	s3 =	sld [smem:$0x3FFD];
	_ =	sdelay $0x3  }
0x96: {  	_ =	strace s3  }
0x97: {  	_ =	strace $0x8FFFFFFF  }
0x98: {  	s19 =	sld [smem:$0x3FDB];
	_ =	sdelay $0x1  }
0x99: {  	s4 =	simm.s32 $_scs_section_size  }
0x9a: {  	s5 =	simm.s32 $_size__tile_overlayer_lowered;
	s6 =	simm.s32 $_tile_overlayer_lowered  }
0x9b: {  	s22 =	simm.s32 $0x1BFF;
	s21 =	sshll.u32 s6, $0x1;
	s3 =	sadd.s32 s4, s19  }
0x9c: {  	s7 =	simm.s32 $0x0;
	s20 =	sshll.u32 s5, $0x1;
	s5 =	sadd.s32 s21, s3  }
0x9d: {  	[timem:s7], [sflag:s22] =	dma.local [hbm:s5], s20  }
0x9e: {  	_ =	swait.ge [sflag:s22], s20  }
0x9f: {  	s4 =	ssub.s32 $0x0, s20;
	[sflag:s22] =	ssyncset.done $0x0  }
0xa0: {  	[sflag:s22] =	ssyncadd.s32 s4;
	_ =	sdelay $0x1  }
0xa1: {  	s23 =	simm.s32 $0x1B8B  }
0xa2: {  	_ =	swait.ge [sflag:s23], $0x1  }
0xa3: {  	[sflag:s23] =	ssyncset.done $0x0  }
0xa4: {  	s25 =	simm.s32 $0x1B8E;
	s24 =	sld [smem:$0x3FFE];
	[sflag:s23] =	ssyncadd.s32 $0xFFFFFFFF  }
0xa5: {  	s26 =	simm.s32 $execute0_lowered;
	[smem:$0x3FD2] =	sst s25  }
0xa6: {  	s5 =	sshll.u32 s26, $0x1;
	_ =	strace $0x80000046;
	[dreg:$0x1] =	wrdreg $0xFFFFFFFF  }
0xa7: {  	s28 =	simm.s32 $_size_execute0_lowered;
	s3 =	sadd.s32 s3, s5;
	[dreg:$0x0] =	wrdreg $0x0  }
0xa8: {  	s5 =	sshll.u32 s28, $0x1;
	[dreg:$0x2] =	wrdreg s3  }
0xa9: {  	[dreg:$0x3] =	wrdreg s5  }
0xaa: {  	[dreg:$0x4] =	wrdreg $0xC0  }
0xab: {  	_ =	task [dreg:s7], $0x5FFFF  }
0xac: {  	[dreg:$0x1] =	wrdreg $0xFFFFFFFF  }
0xad: {  	[dreg:$0x0] =	wrdreg $0x60  }
0xae: {  	[dreg:$0x2] =	wrdreg s2  }
0xaf: {  	[dreg:$0x3] =	wrdreg s24  }
0xb0: {  	[dreg:$0x4] =	wrdreg $0x9  }
0xb1: {  	_ =	task.clear_ibuf [dreg:s7], $0x5FFFF;
	_ =	strace $0x90000046  }
0xb2: {  	s29 =	simm.s32 $0x9;
	_ =	strace $0x80000048  }
0xb3: {  	_ =	swait.ge [sflag:s29], $0x1  }
0xb4: {  	[sflag:s29] =	ssyncadd.s32 $0xFFFFFFFF  }
0xb5: {  	_ =	strace $0x90000048  }
0xb6: {  	_ =	sfence  }
0xb7: {  	s30 =	sld [smem:$0x0];
	_ =	sdelay $0x2  }
0xb8: {  	s31 =	sshll.u32 s1, $0xD;
	s1 =	sshrl.u32 s1, $0x2  }
0xb9: {  	s3 =	sand.u32 $0x4000, s31;
	s1 =	sadd.s32 s1, s30  }
0xba: {  	s0 =	sor.u32 s3, s0;
	s1 =	sshll.u32 s1, $0x11  }
0xbb: {  	s0 =	sor.u32 s1, s0  }
0xbc: {  	s0 =	sadd.s32 $0x8F2B, s0  }
0xbd: {  	[sflag:s0] =	ssyncadd.remote.s32 $0x1  }
0xbe: {  	_ =	sfence.sel $0xFFFF  }
0xbf: {  	[dreg:$0x0] =	wrdreg $0xFFFFFFFF;
	(pc) =	sbr.abs _section_cstart, $3  }
0xc0: {  	[dreg:$0x1] =	wrdreg $0xFFFFFFFF  }
0xc1: {  	_ =	task.clear_ibuf [dreg:s7], $0x2FFFF;
	_ =	strace $0x9FFFFFFF  }
0xc2: {  	(tm) =	ssettm $0x7FFFFFFF  }
0xc3: {  	_ =	shalt  }
tec
execute0_lowered:
.L_overlay_start_1:
0x0: {  	(tag) =	ssettag $0x1  }
0x1: {  	s6 =	rddreg [dreg:$0x0]  }
0x2: {  	s4 =	rddreg [dreg:$0x1];
	s2 =	srdreg.scid  }
0x3: {  	s0 =	rddreg [dreg:$0x2];
	s1 =	stileid.u32;
	s10 =	simm.s32 $0x3  }
0x4: {  	s11 =	simm.s32 $0x1;
	s12 =	simm.s32 $0x200;
	s13 =	simm.s32 $0x4200  }
0x5: {  	s14 =	simm.s32 $0x8200;
	s15 =	simm.s32 $0xC200;
	s16 =	simm.s32 $0x2  }
0x6: {  	s17 =	simm.s32 $0x0;
	s3 =	sand.u32 $0x1, s2;
	s2 =	simm.s32 $0x0  }
0x7: {  	s5 =	sshll.u32 s1, $0xA;
	s7 =	sshll.u32 s3, $0x9;
	[smem:$0x7FF] =	sst s2  }
0x8: {  	s30 =	ssub.s32 $0x2, s3;
	s3 =	sadd.s32 $0x800, s4;
	s5 =	sor.u32 s7, s5  }
0x9: {  	_ =	strace $0x80000047;
	s9 =	sshrl.u32 s30, $0x1;
	s8 =	sshll.u32 s5, $0x4  }
0xa: {  	s9 =	ssub.s32 s30, s9;
	s31 =	sshrl.u32 s5, $0x3;
	s8 =	sadd.s32 s8, s4  }
0xb: {  	s6 =	sadd.s32 s6, s31;
	s4 =	sadd.s32 $0xF42C00, s8;
	s5 =	sadd.s32 $0xF43400, s8  }
0xc: {  	s9 =	smax.u32 s9, $0x1;
	s7 =	sadd.s32 $0xF43C00, s8;
	s8 =	sadd.s32 $0xF44400, s8  }
.LBB2_1:
0xd: {  	[tilespmem:s2], [sflag:$0x3] =	stream.linear.gather [hbm4b:s6+s2], $0x200, $0x38;
	[tilespmem:$0x10200] =	vst v63  }
0xe: {  	_ =	swait.ge [sflag:s10], $0x200  }
0xf: {  	[sflag:s10] =	ssyncset.done $0x0  }
0x10: {  	s19 =	simm.s32 $0x0;
	[sflag:s10] =	ssyncadd.s32 $0xFFFFFE00  }
0x11: {  	v1 =	vld [tilespmem:s19+$0x0];
	_ =	sdelay $0x4  }
0x12: {  	(v2sf) =	vpush v1, $0x0  }
0x13: {  	(v2sf) =	vpush v1, $0x1;
	_ =	sdelay $0x1  }
0x14: {  	(v2sf) =	vpush v1, $0x2  }
0x15: {  	(v2sf) =	vpush v1, $0x3  }
0x16: {  	(v2sf) =	vpush v1, $0x4  }
0x17: {  	(v2sf) =	vpush v1, $0x5  }
0x18: {  	(v2sf) =	vpush v1, $0x6  }
0x19: {  	(v2sf) =	vpush v1, $0x7  }
0x1a: {  	(v2sf) =	vpush v1, $0x8  }
0x1b: {  	(v2sf) =	vpush v1, $0x9  }
0x1c: {  	s18 =	simm.s32 $0x10;
	(v2sf) =	vpush v1, $0xA  }
0x1d: {  	v0 =	vld [tilespmem:s18+$0x0];
	(v2sf) =	vpush v1, $0xB  }
0x1e: {  	(v2sf) =	vpush v1, $0xC  }
0x1f: {  	(v2sf) =	vpush v1, $0xD  }
0x20: {  	(v2sf) =	vpush v1, $0xE;
	s20 =	spop (v2sf)  }
0x21: {  	(v2sf) =	vpush v1, $0xF;
	[smem:s19] =	sst s20;
	s31 =	spop (v2sf)  }
0x22: {  	(v2sf) =	vpush v0, $0x0;
	[smem:$0x1] =	sst s31  }
0x23: {  	s20 =	spop (v2sf)  }
0x24: {  	(v2sf) =	vpush v0, $0x1;
	[smem:$0x2] =	sst s20  }
0x25: {  	s20 =	spop (v2sf)  }
0x26: {  	(v2sf) =	vpush v0, $0x2;
	[smem:$0x3] =	sst s20  }
0x27: {  	s20 =	spop (v2sf)  }
0x28: {  	(v2sf) =	vpush v0, $0x3;
	[smem:$0x4] =	sst s20  }
0x29: {  	s20 =	spop (v2sf)  }
0x2a: {  	(v2sf) =	vpush v0, $0x4;
	[smem:$0x5] =	sst s20  }
0x2b: {  	s20 =	spop (v2sf)  }
0x2c: {  	(v2sf) =	vpush v0, $0x5;
	[smem:$0x6] =	sst s20  }
0x2d: {  	s20 =	spop (v2sf)  }
0x2e: {  	(v2sf) =	vpush v0, $0x6;
	[smem:$0x7] =	sst s20  }
0x2f: {  	s20 =	spop (v2sf)  }
0x30: {  	(v2sf) =	vpush v0, $0x7;
	[smem:$0x8] =	sst s20  }
0x31: {  	s20 =	spop (v2sf)  }
0x32: {  	(v2sf) =	vpush v0, $0x8;
	[smem:$0x9] =	sst s20  }
0x33: {  	s20 =	spop (v2sf)  }
0x34: {  	(v2sf) =	vpush v0, $0x9;
	[smem:$0xA] =	sst s20  }
0x35: {  	s20 =	spop (v2sf)  }
0x36: {  	(v2sf) =	vpush v0, $0xA;
	[smem:$0xB] =	sst s20  }
0x37: {  	s21 =	spop (v2sf)  }
0x38: {  	(v2sf) =	vpush v0, $0xB;
	[smem:$0xC] =	sst s21  }
0x39: {  	s20 =	simm.s32 $0x20;
	s21 =	spop (v2sf)  }
0x3a: {  	v1 =	vld [tilespmem:s20+$0x0];
	(v2sf) =	vpush v0, $0xC;
	[smem:$0xD] =	sst s21  }
0x3b: {  	s21 =	spop (v2sf)  }
0x3c: {  	(v2sf) =	vpush v0, $0xD;
	[smem:$0xE] =	sst s21  }
0x3d: {  	s21 =	simm.s32 $0xC0;
	s22 =	spop (v2sf)  }
.LBB2_2:
0x3e: {  	p0 =	sne.s32 s21, $0x7C0;
	[smem:s19+$0xF] =	sst s22;
	s22 =	smov.u32 s21  }
0x3f: {  	(v2sf) =	vpush v0, $0xE;
	s21 =	sadd.s32 $0x40, s21;
	s19 =	smov.u32 s18;
	s18 =	smov.u32 s20  }
0x40: {  	s20 =	spop (v2sf);
	(v2sf) =	vpush v0, $0xF  }
0x41: {  	[smem:s19] =	sst s20;
	s20 =	spop (v2sf)  }
0x42: {  	(v2sf) =	vpush v1, $0x0;
	[smem:s19+$0x1] =	sst s20;
	s20 =	spop (v2sf);
	v0 =	vmov v1  }
0x43: {  	(v2sf) =	vpush v0, $0x1;
	[smem:s19+$0x2] =	sst s20;
	s20 =	spop (v2sf)  }
0x44: {  	(v2sf) =	vpush v0, $0x2;
	[smem:s19+$0x3] =	sst s20;
	s20 =	spop (v2sf)  }
0x45: {  	(v2sf) =	vpush v0, $0x3;
	[smem:s19+$0x4] =	sst s20;
	s20 =	spop (v2sf)  }
0x46: {  	(v2sf) =	vpush v0, $0x4;
	[smem:s19+$0x5] =	sst s20;
	s20 =	spop (v2sf)  }
0x47: {  	(v2sf) =	vpush v0, $0x5;
	[smem:s19+$0x6] =	sst s20;
	s20 =	spop (v2sf)  }
0x48: {  	(v2sf) =	vpush v0, $0x6;
	[smem:s19+$0x7] =	sst s20;
	s20 =	spop (v2sf)  }
0x49: {  	(v2sf) =	vpush v0, $0x7;
	[smem:s19+$0x8] =	sst s20;
	s20 =	spop (v2sf)  }
0x4a: {  	(v2sf) =	vpush v0, $0x8;
	[smem:s19+$0x9] =	sst s20;
	s20 =	spop (v2sf)  }
0x4b: {  	[smem:s19+$0xA] =	sst s20  }
.Ltmp0:
0x4c: {  	(v2sf) =	vpush v0, $0x9;
	s20 =	spop (v2sf);
	(pc) =	sbr.rel @p0 .LBB2_2-.Ltmp0, $4  }
0x4d: {  	(v2sf) =	vpush v0, $0xA;
	[smem:s19+$0xB] =	sst s20;
	s23 =	spop (v2sf)  }
0x4e: {  	s20 =	sshra.s32 s22, $0x2;
	(v2sf) =	vpush v0, $0xB;
	[smem:s19+$0xC] =	sst s23;
	s22 =	spop (v2sf)  }
0x4f: {  	v1 =	vld [tilespmem:s20+$0x0];
	(v2sf) =	vpush v0, $0xC;
	[smem:s19+$0xD] =	sst s22;
	s22 =	spop (v2sf)  }
0x50: {  	(v2sf) =	vpush v0, $0xD;
	[smem:s19+$0xE] =	sst s22;
	s22 =	spop (v2sf)  }
0x51: {  	_ = 	snop  }
0x52: {  	(v2sf) =	vpush v0, $0xE  }
0x53: {  	[smem:s19+$0xF] =	sst s22;
	s25 =	spop (v2sf);
	(v2sf) =	vpush v0, $0xF  }
0x54: {  	[smem:s18] =	sst s25;
	s26 =	spop (v2sf);
	(v2sf) =	vpush v1, $0x0  }
0x55: {  	[smem:s18+$0x1] =	sst s26;
	s28 =	spop (v2sf);
	(v2sf) =	vpush v1, $0x1  }
0x56: {  	[smem:s18+$0x2] =	sst s28;
	s29 =	spop (v2sf);
	(v2sf) =	vpush v1, $0x2  }
0x57: {  	[smem:s18+$0x3] =	sst s29;
	s30 =	spop (v2sf);
	(v2sf) =	vpush v1, $0x3  }
0x58: {  	[smem:s18+$0x4] =	sst s30;
	s31 =	spop (v2sf);
	(v2sf) =	vpush v1, $0x4  }
0x59: {  	[smem:s18+$0x5] =	sst s31;
	s21 =	spop (v2sf);
	(v2sf) =	vpush v1, $0x5  }
0x5a: {  	[smem:s18+$0x6] =	sst s21;
	s22 =	spop (v2sf);
	(v2sf) =	vpush v1, $0x6  }
0x5b: {  	[smem:s18+$0x7] =	sst s22;
	s23 =	spop (v2sf);
	(v2sf) =	vpush v1, $0x7  }
0x5c: {  	[smem:s18+$0x8] =	sst s23;
	s24 =	spop (v2sf);
	(v2sf) =	vpush v1, $0x8  }
0x5d: {  	[smem:s18+$0x9] =	sst s24;
	s25 =	spop (v2sf);
	(v2sf) =	vpush v1, $0x9  }
0x5e: {  	[smem:s18+$0xA] =	sst s25;
	s26 =	spop (v2sf);
	(v2sf) =	vpush v1, $0xA  }
0x5f: {  	[smem:s18+$0xB] =	sst s26;
	s28 =	spop (v2sf);
	(v2sf) =	vpush v1, $0xB  }
0x60: {  	[smem:s18+$0xC] =	sst s28;
	s29 =	spop (v2sf);
	(v2sf) =	vpush v1, $0xC  }
0x61: {  	[smem:s18+$0xD] =	sst s29;
	s30 =	spop (v2sf);
	(v2sf) =	vpush v1, $0xD  }
0x62: {  	[smem:s18+$0xE] =	sst s30;
	s31 =	spop (v2sf);
	(v2sf) =	vpush v1, $0xE  }
0x63: {  	[smem:s18+$0xF] =	sst s31;
	s21 =	spop (v2sf);
	(v2sf) =	vpush v1, $0xF  }
0x64: {  	[smem:s20] =	sst s21;
	s22 =	spop (v2sf)  }
0x65: {  	[smem:s20+$0x1] =	sst s22;
	s23 =	spop (v2sf)  }
0x66: {  	[smem:s20+$0x2] =	sst s23;
	s24 =	spop (v2sf)  }
0x67: {  	[smem:s20+$0x3] =	sst s24;
	s25 =	spop (v2sf)  }
0x68: {  	[smem:s20+$0x4] =	sst s25;
	s26 =	spop (v2sf)  }
0x69: {  	[smem:s20+$0x5] =	sst s26;
	s28 =	spop (v2sf)  }
0x6a: {  	[smem:s20+$0x6] =	sst s28;
	s29 =	spop (v2sf)  }
0x6b: {  	[smem:s20+$0x7] =	sst s29;
	s30 =	spop (v2sf)  }
0x6c: {  	[smem:s20+$0x8] =	sst s30;
	s31 =	spop (v2sf)  }
0x6d: {  	[smem:s20+$0x9] =	sst s31;
	s19 =	spop (v2sf)  }
0x6e: {  	[smem:s20+$0xA] =	sst s19;
	s21 =	spop (v2sf)  }
0x6f: {  	[smem:s20+$0xB] =	sst s21;
	s22 =	spop (v2sf)  }
0x70: {  	[smem:s20+$0xC] =	sst s22;
	s23 =	spop (v2sf)  }
0x71: {  	[smem:s20+$0xD] =	sst s23;
	s24 =	spop (v2sf)  }
0x72: {  	[smem:s20+$0xE] =	sst s24;
	s25 =	spop (v2sf)  }
0x73: {  	[smem:s20+$0xF] =	sst s25  }
0x74: {  	s19 =	sld [smem:$0x7]  }
0x75: {  	s20 =	sld [smem:$0x6]  }
0x76: {  	s21 =	sld [smem:$0x0]  }
0x77: {  	s18 =	simm.s32 $0x1000;
	s22 =	sld [smem:$0x5]  }
0x78: {  	s26 =	simm.s32 $0x200;
	s29 =	simm.s32 $0x280;
	s23 =	sld [smem:$0x1]  }
0x79: {  	s19 =	sshll.u32 s19, $0x4;
	s21 =	sshll.u32 s21, $0x4;
	s24 =	sld [smem:$0x3]  }
0x7a: {  	s21 =	sand.u32 $0x1FFFFFF0, s21;
	s25 =	sld [smem:$0x2];
	s22 =	sshll.u32 s22, $0x4  }
0x7b: {  	s21 =	sadd.s32 s3, s21;
	s23 =	sshll.u32 s23, $0x4;
	s28 =	sld [smem:$0x4]  }
0x7c: {  	s22 =	sand.u32 $0x1FFFFFF0, s22;
	s23 =	sand.u32 $0x1FFFFFF0, s23;
	s24 =	sshll.u32 s24, $0x4  }
0x7d: {  	[tilespmem:s26], [sflag:$0x1] =	stream.linear.gather [hbm4b:s21+s2], $0x80, $0x38;
	[tilespmem:$0x10200] =	vst v63  }
0x7e: {  	s26 =	simm.s32 $0x300;
	s22 =	sadd.s32 s3, s22;
	s25 =	sshll.u32 s25, $0x4  }
0x7f: {  	s21 =	simm.s32 $0x0;
	s23 =	sadd.s32 s3, s23;
	s25 =	sand.u32 $0x1FFFFFF0, s25  }
0x80: {  	[tilespmem:s29], [sflag:$0x1] =	stream.linear.gather [hbm4b:s23+s2], $0x80, $0x38;
	[tilespmem:$0x10200] =	vst v63  }
0x81: {  	s24 =	sand.u32 $0x1FFFFFF0, s24;
	s31 =	sshll.u32 s28, $0x4;
	s30 =	sadd.s32 s3, s25  }
0x82: {  	[tilespmem:s26], [sflag:$0x1] =	stream.linear.gather [hbm4b:s30+s2], $0x80, $0x38;
	[tilespmem:$0x10200] =	vst v63  }
0x83: {  	s24 =	sadd.s32 s3, s24;
	s23 =	simm.s32 $0x380;
	s26 =	sand.u32 $0x1FFFFFF0, s31  }
0x84: {  	[tilespmem:s23], [sflag:$0x1] =	stream.linear.gather [hbm4b:s24+s2], $0x80, $0x38;
	[tilespmem:$0x10200] =	vst v63  }
0x85: {  	s28 =	simm.s32 $0x400;
	s29 =	sshll.u32 s20, $0x4;
	s23 =	sadd.s32 s3, s26  }
0x86: {  	[tilespmem:s28], [sflag:$0x1] =	stream.linear.gather [hbm4b:s23+s2], $0x80, $0x38;
	[tilespmem:$0x10200] =	vst v63  }
0x87: {  	s20 =	sand.u32 $0x1FFFFFF0, s19;
	s30 =	simm.s32 $0x480;
	s31 =	sand.u32 $0x1FFFFFF0, s29  }
0x88: {  	[tilespmem:s30], [sflag:$0x1] =	stream.linear.gather [hbm4b:s22+s2], $0x80, $0x38;
	[tilespmem:$0x10200] =	vst v63  }
0x89: {  	s19 =	simm.s32 $0xC;
	s23 =	sadd.s32 s3, s31;
	s22 =	simm.s32 $0x500  }
.LBB2_4:
0x8a: {  	s24 =	sld [smem:s19+$0x3]  }
0x8b: {  	s21 =	sadd.s32 $0x580, s21;
	s20 =	sadd.s32 s3, s20;
	s25 =	smov.u32 s18  }
0x8c: {  	[tilespmem:s22], [sflag:$0x1] =	stream.linear.gather [hbm4b:s23+s2], $0x80, $0x38;
	[tilespmem:$0x10200] =	vst v63  }
0x8d: {  	p0 =	sne.s32 s18, $0x3F000;
	s18 =	sadd.s32 $0x1000, s18;
	s22 =	sld [smem:s19+$0x2]  }
0x8e: {  	[tilespmem:s21], [sflag:$0x1] =	stream.linear.gather [hbm4b:s20+s2], $0x80, $0x38;
	[tilespmem:$0x10200] =	vst v63  }
0x8f: {  	s20 =	sshll.u32 s24, $0x4;
	s21 =	sld [smem:s19+$0xFFFFFFFC]  }
0x90: {  	s20 =	sand.u32 $0x1FFFFFF0, s20;
	s23 =	sld [smem:s19+$0x1];
	s22 =	sshll.u32 s22, $0x4  }
0x91: {  	s24 =	sld [smem:s19+$0xFFFFFFFD];
	s26 =	sand.u32 $0x1FFFFFF0, s22  }
0x92: {  	s22 =	sshll.u32 s21, $0x4;
	s28 =	sld [smem:s19+$0xFFFFFFFF]  }
0x93: {  	s21 =	sshra.s32 s25, $0x2;
	s22 =	sand.u32 $0x1FFFFFF0, s22;
	s25 =	sld [smem:s19+$0xFFFFFFFE]  }
0x94: {  	s29 =	sadd.s32 $0x200, s21;
	s22 =	sadd.s32 s3, s22;
	s24 =	sshll.u32 s24, $0x4  }
0x95: {  	s24 =	sand.u32 $0x1FFFFFF0, s24;
	s28 =	sshll.u32 s28, $0x4;
	s30 =	sld [smem:s19+$0x0]  }
0x96: {  	s31 =	sadd.s32 $0x280, s21;
	s24 =	sadd.s32 s3, s24;
	s25 =	sshll.u32 s25, $0x4  }
0x97: {  	[tilespmem:s29], [sflag:$0x1] =	stream.linear.gather [hbm4b:s22+s2], $0x80, $0x38;
	[tilespmem:$0x10200] =	vst v63  }
0x98: {  	s28 =	sand.u32 $0x1FFFFFF0, s28;
	s22 =	sadd.s32 $0x300, s21;
	s25 =	sand.u32 $0x1FFFFFF0, s25  }
0x99: {  	[tilespmem:s31], [sflag:$0x1] =	stream.linear.gather [hbm4b:s24+s2], $0x80, $0x38;
	[tilespmem:$0x10200] =	vst v63  }
0x9a: {  	s24 =	sadd.s32 s3, s25;
	s25 =	sadd.s32 s3, s28;
	s28 =	sshll.u32 s30, $0x4  }
0x9b: {  	[tilespmem:s22], [sflag:$0x1] =	stream.linear.gather [hbm4b:s24+s2], $0x80, $0x38;
	[tilespmem:$0x10200] =	vst v63  }
0x9c: {  	s23 =	sshll.u32 s23, $0x4;
	s22 =	sadd.s32 $0x380, s21;
	s24 =	sand.u32 $0x1FFFFFF0, s28  }
0x9d: {  	s23 =	sand.u32 $0x1FFFFFF0, s23;
	s28 =	sadd.s32 $0x400, s21;
	s24 =	sadd.s32 s3, s24  }
0x9e: {  	[tilespmem:s22], [sflag:$0x1] =	stream.linear.gather [hbm4b:s25+s2], $0x80, $0x38;
	[tilespmem:$0x10200] =	vst v63  }
.Ltmp1:
0x9f: {  	_ = 	snop;
	(pc) =	sbr.rel @p0 .LBB2_4-.Ltmp1, $4  }
0xa0: {  	s29 =	sadd.s32 s3, s23;
	s25 =	sadd.s32 $0x480, s21;
	s22 =	sadd.s32 $0x500, s21  }
0xa1: {  	[tilespmem:s28], [sflag:$0x1] =	stream.linear.gather [hbm4b:s24+s2], $0x80, $0x38;
	[tilespmem:$0x10200] =	vst v63  }
0xa2: {  	s19 =	sadd.s32 $0x8, s19;
	s23 =	sadd.s32 s3, s26  }
0xa3: {  	[tilespmem:s25], [sflag:$0x1] =	stream.linear.gather [hbm4b:s29+s2], $0x80, $0x38;
	[tilespmem:$0x10200] =	vst v63  }
0xa4: {  	[tilespmem:s22], [sflag:$0x1] =	stream.linear.gather [hbm4b:s23+s2], $0x80, $0x38;
	[tilespmem:$0x10200] =	vst v63  }
0xa5: {  	s18 =	sadd.s32 $0x580, s21;
	s19 =	sadd.s32 s3, s20  }
0xa6: {  	[tilespmem:s18], [sflag:$0x1] =	stream.linear.gather [hbm4b:s19+s2], $0x80, $0x38;
	[tilespmem:$0x10200] =	vst v63  }
0xa7: {  	_ =	swait.ge [sflag:s11], $0x10000  }
0xa8: {  	[sflag:s11] =	ssyncset.done $0x0  }
0xa9: {  	[sflag:s11] =	ssyncadd.s32 $0xFFFF0000  }
0xaa: {  	[hbm4b:s4+s2] =	stream.linear.scatter [tilespmem:s12], [sflag:$0x2], $0x4000, $0x38;
	[tilespmem:$0x10200] =	vst v63  }
0xab: {  	s17 =	sadd.s32 $0x1, s17  }
0xac: {  	[hbm4b:s5+s2] =	stream.linear.scatter [tilespmem:s13], [sflag:$0x2], $0x4000, $0x38;
	[tilespmem:$0x10200] =	vst v63  }
0xad: {  	p0 =	sne.s32 s17, s9  }
0xae: {  	[hbm4b:s7+s2] =	stream.linear.scatter [tilespmem:s14], [sflag:$0x2], $0x4000, $0x38;
	[tilespmem:$0x10200] =	vst v63  }
.Ltmp2:
0xaf: {  	_ = 	snop;
	(pc) =	sbr.rel @p0 .LBB2_1-.Ltmp2, $4  }
0xb0: {  	[hbm4b:s8+s2] =	stream.linear.scatter [tilespmem:s15], [sflag:$0x2], $0x4000, $0x38;
	[tilespmem:$0x10200] =	vst v63  }
0xb1: {  	_ =	swait.ge [sflag:s16], $0x10000  }
0xb2: {  	[sflag:s16] =	ssyncset.done $0x0  }
0xb3: {  	[sflag:s16] =	ssyncadd.s32 $0xFFFF0000  }
0xb4: {  	_ =	sfence.sel $0x180000  }
0xb5: {  	[bflag:$0x0] =	sbarrier.arrive $0xFFFF  }
0xb6: {  	p0 =	sne.s32 s1, $0x0;
	_ =	strace $0x90000047  }
0xb7: {  	s0 =	sadd.s32 @!p0 $0x100000, s0;
	[bflag:$0x2] =	sbarrier.arrive $0xFFFF  }
0xb8: {  	[sflag:s0] =	ssyncadd.tile.s32 @!p0 $0x1;
	_ =	shalt  }
.Lfunc_end2:
_tile_overlayer_lowered:
.L_overlay_start_2:
0xb9: {  	(tag) =	ssettag $0x2  }
0xba: {  	s0 =	rddreg [dreg:$0x0];
	s2 =	stileid.u32  }
0xbb: {  	s1 =	rddreg [dreg:$0x1];
	p0 =	sne.s32 s2, $0x0  }
0xbc: {  	s3 =	rddreg [dreg:$0x2];
	[bflag:$0x3] =	sbarrier.arrive $0xFFFF;
	s2 =	simm.s32 @!p0 $0x1C03  }
0xbd: {  	[timem:s3], [sflag:s2] =	dma.local @!p0 [hbm:s0], s1  }
0xbe: {  	s0 =	simm.s32 @!p0 $0x3  }
0xbf: {  	_ =	swait.ge @!p0 [sflag:s0], s1  }
0xc0: {  	s1 =	ssub.s32 @!p0 $0x0, s1;
	[sflag:s0] =	ssyncset.done @!p0 $0x0  }
0xc1: {  	[sflag:s0] =	ssyncadd.s32 @!p0 s1  }
0xc2: {  	[bflag:$0x3] =	sbarrier.arrive $0xFFFF  }
0xc3: {  	_ =	shalt  }

// kernel: kernel.7.cloned.1.call-start
scs
__scs_entry_jumppad:
0x0: {  	(pc) =	sbr.rel $0x88, $3  }
0x1: {  	(tag) =	ssettag $0x0;
	lr =	simm.s32 $0x1  }
0x2: {  	[smem:$0x3F9D] =	sst lr;
	_ =	strace $0xD0000000  }
0x3: {  	_ = 	snop  }
0x4: {  	_ = 	snop  }
0x5: {  	_ = 	snop  }
0x6: {  	_ = 	snop  }
0x7: {  	_ = 	snop  }
__scs_overlays_trampoline_lowered:
0x8: {  	[smem:$0x3FAC] =	sst s0  }
0x9: {  	[smem:$0x3FAD] =	sst s1  }
0xa: {  	[smem:$0x3FAE] =	sst s2  }
0xb: {  	[smem:$0x3FAF] =	sst s3  }
0xc: {  	[smem:$0x3FB0] =	sst s4  }
0xd: {  	[smem:$0x3FB1] =	sst s5  }
0xe: {  	[smem:$0x3FB2] =	sst s6  }
0xf: {  	[smem:$0x3FB3] =	sst s7  }
0x10: {  	[smem:$0x3FB4] =	sst s8  }
0x11: {  	[smem:$0x3FB5] =	sst s9;
	s0 =	simm.s32 @!p0 $0x0  }
0x12: {  	s1 =	sld [smem:$0x3F9B];
	s0 =	simm.s32 @p0 $0x1  }
0x13: {  	[smem:$0x3FB6] =	sst s0;
	s0 =	simm.s32 @!p1 $0x0  }
0x14: {  	s2 =	sld [smem:$0x3F9A];
	s0 =	simm.s32 @p1 $0x1  }
0x15: {  	[smem:$0x3FB7] =	sst s0;
	s0 =	simm.s32 @!p2 $0x0  }
0x16: {  	s3 =	sld [smem:$0x3FDB];
	s0 =	simm.s32 @p2 $0x1  }
0x17: {  	s4 =	simm.s32 $0x1BF5;
	[smem:$0x3FB9] =	sst s0  }
0x18: {  	s0 =	sld [smem:$0x3F9C];
	_ =	swait.ge [sflag:s4], $0x0  }
0x19: {  	s7 =	sld [smem:$0x3F9D]  }
0x1a: {  	s8 =	sadd.s32 $0xFFFFE003, lr  }
0x1b: {  	s9 =	sadd.s32 $0xFFFFFEF7, lr;
	s5 =	simm.s32 $0xFFFFFFFF;
	p2 =	slt.u32 s8, $0xFFFFF086  }
0x1c: {  	p1 =	slt.u32 s9, $0xF7A;
	s5 =	simm.s32 @!p2 $0x0  }
0x1d: {  	s5 =	simm.s32 @p1 $0x1;
	p0 =	seq.s32 s7, s2  }
0x1e: {  	s7 =	smul.u32 @!p0 $0xF7A, s2;
	p2 =	seq.s32 @!p0 s5, $0x0  }
0x1f: {  	s9 =	smul.u32 $0xF7A, s1;
	s8 =	simm.s32 @!p0 $0x1BF5;
	p2 =	por !p2, p0  }
0x20: {  	[sflag:s8] =	ssyncset.s32 @!p0 $0xFFFFF086;
	s6 =	sadd.s32 @!p0 s3, s7;
	s7 =	simm.s32 @!p0 $0x108  }
0x21: {  	s3 =	sadd.s32 s3, s9;
	s6 =	sadd.s32 @!p0 $0x88, s6;
	s7 =	simm.s32 @p2 $0x1082  }
0x22: {  	[simem:s7], [sflag:s8] =	dma.local @!p0 [hbm:s6], $0xF7A  }
0x23: {  	s9 =	sor.u32 $0xD0000000, s2;
	s6 =	simm.s32 $0x108;
	_ =	swait.ge @!p0 [sflag:s8], $0x0  }
0x24: {  	s3 =	sadd.s32 $0x88, s3;
	s6 =	simm.s32 @!p1 $0x1082;
	[sflag:s4] =	ssyncset.s32 $0xFFFFF086  }
0x25: {  	[simem:s6], [sflag:s4] =	dma.local [hbm:s3], $0xF7A  }
0x26: {  	[smem:$0x3F9D] =	sst s1;
	(tag) =	ssettag s2;
	_ =	strace s9  }
0x27: {  	s1 =	sld [smem:$0x3FAD]  }
0x28: {  	s2 =	sld [smem:$0x3FAE]  }
0x29: {  	s4 =	sld [smem:$0x3FB0]  }
0x2a: {  	p0 =	seq.s32 s5, $0x0;
	s5 =	sld [smem:$0x3FB1]  }
0x2b: {  	s6 =	sld [smem:$0x3FB2]  }
0x2c: {  	s7 =	sld [smem:$0x3FB3]  }
0x2d: {  	s3 =	simm.s32 $0x108;
	s8 =	sld [smem:$0x3FB4]  }
0x2e: {  	s3 =	simm.s32 @!p0 $0x1082;
	s9 =	sld [smem:$0x3FB5]  }
0x2f: {  	lr =	sadd.s32 s0, s3;
	s0 =	sld [smem:$0x3FAC]  }
0x30: {  	s3 =	sld [smem:$0x3FAF]  }
0x31: {  	[smem:$0x3FB8] =	sst s10  }
0x32: {  	s10 =	sld [smem:$0x3FB6];
	_ =	sdelay $0x3  }
0x33: {  	p0 =	seq.s32 s10, $0x1;
	s10 =	sld [smem:$0x3FB8];
	_ =	sdelay $0x3  }
0x34: {  	[smem:$0x3FB8] =	sst s10  }
0x35: {  	s10 =	sld [smem:$0x3FB7];
	_ =	sdelay $0x3  }
0x36: {  	p1 =	seq.s32 s10, $0x1;
	s10 =	sld [smem:$0x3FB8];
	_ =	sdelay $0x3  }
0x37: {  	[smem:$0x3FB8] =	sst s10  }
0x38: {  	s10 =	sld [smem:$0x3FB9]  }
0x39: {  	_ = 	snop;
	(pc) =	sbr.ind lr, $3  }
0x3a: {  	_ = 	snop  }
0x3b: {  	_ = 	snop  }
0x3c: {  	p2 =	seq.s32 s10, $0x1;
	s10 =	sld [smem:$0x3FB8]  }
0x3d: {  	_ =	shalt  }
0x3e: {  	_ =	shalt  }
0x3f: {  	_ =	shalt  }
0x40: {  	_ =	shalt  }
0x41: {  	_ =	shalt  }
0x42: {  	_ =	shalt  }
0x43: {  	_ =	shalt  }
0x44: {  	_ =	shalt  }
0x45: {  	_ =	shalt  }
0x46: {  	_ =	shalt  }
0x47: {  	_ =	shalt  }
0x48: {  	_ =	shalt  }
0x49: {  	_ =	shalt  }
0x4a: {  	_ =	shalt  }
0x4b: {  	_ =	shalt  }
0x4c: {  	_ =	shalt  }
0x4d: {  	_ =	shalt  }
0x4e: {  	_ =	shalt  }
0x4f: {  	_ =	shalt  }
0x50: {  	_ =	shalt  }
0x51: {  	_ =	shalt  }
0x52: {  	_ =	shalt  }
0x53: {  	_ =	shalt  }
0x54: {  	_ =	shalt  }
0x55: {  	_ =	shalt  }
0x56: {  	_ =	shalt  }
0x57: {  	_ =	shalt  }
0x58: {  	_ =	shalt  }
0x59: {  	_ =	shalt  }
0x5a: {  	_ =	shalt  }
0x5b: {  	_ =	shalt  }
0x5c: {  	_ =	shalt  }
0x5d: {  	_ =	shalt  }
0x5e: {  	_ =	shalt  }
0x5f: {  	_ =	shalt  }
0x60: {  	_ =	shalt  }
0x61: {  	_ =	shalt  }
0x62: {  	_ =	shalt  }
0x63: {  	_ =	shalt  }
0x64: {  	_ =	shalt  }
0x65: {  	_ =	shalt  }
0x66: {  	_ =	shalt  }
0x67: {  	_ =	shalt  }
0x68: {  	_ =	shalt  }
0x69: {  	_ =	shalt  }
0x6a: {  	_ =	shalt  }
0x6b: {  	_ =	shalt  }
0x6c: {  	_ =	shalt  }
0x6d: {  	_ =	shalt  }
0x6e: {  	_ =	shalt  }
0x6f: {  	_ =	shalt  }
0x70: {  	_ =	shalt  }
0x71: {  	_ =	shalt  }
0x72: {  	_ =	shalt  }
0x73: {  	_ =	shalt  }
0x74: {  	_ =	shalt  }
0x75: {  	_ =	shalt  }
0x76: {  	_ =	shalt  }
0x77: {  	_ =	shalt  }
0x78: {  	_ =	shalt  }
0x79: {  	_ =	shalt  }
0x7a: {  	_ =	shalt  }
0x7b: {  	_ =	shalt  }
0x7c: {  	_ =	shalt  }
0x7d: {  	_ =	shalt  }
0x7e: {  	_ =	shalt  }
0x7f: {  	_ =	shalt  }
0x80: {  	_ =	shalt  }
0x81: {  	_ =	shalt  }
0x82: {  	_ =	shalt  }
0x83: {  	_ =	shalt  }
0x84: {  	_ =	shalt  }
0x85: {  	_ =	shalt  }
0x86: {  	_ =	shalt  }
0x87: {  	_ =	shalt  }
.Lfunc_end0:
.L_simem_size_0:
called_computation.1_lowered:
.L_overlay_start_0:
0x88: {  	s2 =	sld [smem:$0x3FD9]  }
0x89: {  	s3 =	sld [smem:$0x3FFE];
	_ =	sdelay $0x1  }
0x8a: {  	s1 =	srdreg.scid  }
0x8b: {  	s0 =	sand.u32 $0x1, s1  }
0x8c: {  	s17 =	sshll.u32 s0, $0xA;
	s2 =	sadd.s32 s3, s2  }
0x8d: {  	s2 =	sadd.s32 s2, s17  }
0x8e: {  	[smem:$0x3FC4] =	sst s2  }
0x8f: {  	_ = 	snop  }
0x90: {  	s18 =	sld [smem:$0x3FC8];
	(tm) =	ssettm $0x1  }
0x91: {  	s19 =	sld [smem:$0x3FFB];
	_ =	sdelay $0x3  }
0x92: {  	_ =	strace s19  }
0x93: {  	s2 =	sld [smem:$0x3FFC];
	_ =	sdelay $0x3  }
0x94: {  	_ =	strace s2  }
0x95: {  	s2 =	sld [smem:$0x3FFD];
	_ =	sdelay $0x3  }
0x96: {  	_ =	strace s2  }
0x97: {  	_ =	strace $0x8FFFFFFF  }
0x98: {  	s20 =	sld [smem:$0x3FDB];
	_ =	sdelay $0x1  }
0x99: {  	s4 =	simm.s32 $_scs_section_size  }
0x9a: {  	s5 =	simm.s32 $_size__tile_overlayer_lowered;
	s6 =	simm.s32 $_tile_overlayer_lowered  }
0x9b: {  	s7 =	simm.s32 $0x1BFF;
	s21 =	sshll.u32 s6, $0x1;
	s4 =	sadd.s32 s4, s20  }
0x9c: {  	s22 =	simm.s32 $0x0;
	s5 =	sshll.u32 s5, $0x1;
	s6 =	sadd.s32 s21, s4  }
0x9d: {  	[timem:s22], [sflag:s7] =	dma.local [hbm:s6], s5  }
0x9e: {  	_ =	swait.ge [sflag:s7], s5  }
0x9f: {  	s5 =	ssub.s32 $0x0, s5;
	[sflag:s7] =	ssyncset.done $0x0  }
0xa0: {  	[sflag:s7] =	ssyncadd.s32 s5;
	_ =	sdelay $0x1  }
0xa1: {  	s23 =	simm.s32 $0x1B8B  }
0xa2: {  	_ =	swait.ge [sflag:s23], $0x1  }
0xa3: {  	[sflag:s23] =	ssyncset.done $0x0  }
0xa4: {  	[sflag:s23] =	ssyncadd.s32 $0xFFFFFFFF  }
0xa5: {  	s5 =	sld [smem:$0x0]  }
0xa6: {  	s6 =	sand.u32 $0xFFFFFFFE, s1  }
0xa7: {  	p0 =	sne.s32 s1, s6  }
0xa8: {  	s6 =	sshll.u32 @p0 s6, $0xE  }
0xa9: {  	s6 =	sadd.s32 @p0 $0x11B8D, s6;
	s7 =	sshll.u32 @p0 s5, $0x11  }
0xaa: {  	s6 =	sor.u32 @p0 s7, s6  }
0xab: {  	[sflag:s6] =	ssyncadd.remote.s32 @p0 $0x1;
	_ =	sdelay $0x1  }
0xac: {  	s6 =	simm.s32 @p0 $0x1B8D  }
0xad: {  	_ =	swait.eq @p0 [sflag:s6], $0x1  }
0xae: {  	[sflag:s6] =	ssyncadd.s32 @p0 $0xFFFFFFFF  }
0xaf: {  	s7 =	sshll.u32 @!p0 s1, $0xE  }
0xb0: {  	s7 =	sor.u32 @!p0 $0x4000, s7;
	s6 =	simm.s32 @!p0 $0x1B8D  }
0xb1: {  	s5 =	sshll.u32 @!p0 s5, $0x11;
	s7 =	sadd.s32 @!p0 $0x11B8D, s7;
	_ =	swait.eq @!p0 [sflag:s6], $0x1  }
0xb2: {  	s5 =	sor.u32 @!p0 s5, s7;
	[sflag:s6] =	ssyncadd.s32 @!p0 $0xFFFFFFFF  }
0xb3: {  	s25 =	simm.s32 $0x1B8E;
	s24 =	sld [smem:$0x3FFE];
	[sflag:s5] =	ssyncadd.remote.s32 @!p0 $0x1  }
0xb4: {  	s26 =	simm.s32 $execute0_lowered;
	[smem:$0x3FD2] =	sst s25  }
0xb5: {  	s6 =	sshll.u32 s26, $0x1;
	_ =	strace $0x80000049;
	[dreg:$0x1] =	wrdreg $0xFFFFFFFF  }
0xb6: {  	s28 =	simm.s32 $_size_execute0_lowered;
	s4 =	sadd.s32 s4, s6;
	[dreg:$0x0] =	wrdreg $0x0  }
0xb7: {  	s6 =	sshll.u32 s28, $0x1;
	[dreg:$0x2] =	wrdreg s4  }
0xb8: {  	[dreg:$0x3] =	wrdreg s6  }
0xb9: {  	[dreg:$0x4] =	wrdreg $0xC0  }
0xba: {  	_ =	task [dreg:s22], $0x5FFFF  }
0xbb: {  	[dreg:$0x1] =	wrdreg $0xFFFFFFFF  }
0xbc: {  	[dreg:$0x0] =	wrdreg $0x60  }
0xbd: {  	[dreg:$0x2] =	wrdreg s18  }
0xbe: {  	[dreg:$0x3] =	wrdreg s24  }
0xbf: {  	[dreg:$0x4] =	wrdreg $0xA  }
0xc0: {  	_ =	task.clear_ibuf [dreg:s22], $0x5FFFF;
	_ =	strace $0x90000049  }
0xc1: {  	s29 =	simm.s32 $0xA;
	_ =	strace $0x8000004B  }
0xc2: {  	_ =	swait.ge [sflag:s29], $0x1  }
0xc3: {  	[sflag:s29] =	ssyncadd.s32 $0xFFFFFFFF  }
0xc4: {  	_ =	strace $0x9000004B  }
0xc5: {  	_ =	sfence  }
0xc6: {  	s30 =	sld [smem:$0x0];
	_ =	sdelay $0x2  }
0xc7: {  	s31 =	sshll.u32 s1, $0xD;
	s1 =	sshrl.u32 s1, $0x2  }
0xc8: {  	s4 =	sand.u32 $0x4000, s31;
	s1 =	sadd.s32 s1, s30  }
0xc9: {  	s0 =	sor.u32 s4, s0;
	s1 =	sshll.u32 s1, $0x11  }
0xca: {  	s0 =	sor.u32 s1, s0  }
0xcb: {  	s0 =	sadd.s32 $0x8F2B, s0  }
0xcc: {  	[sflag:s0] =	ssyncadd.remote.s32 $0x1  }
0xcd: {  	_ =	sfence.sel $0xFFFF  }
0xce: {  	[dreg:$0x0] =	wrdreg $0xFFFFFFFF;
	(pc) =	sbr.abs _section_cstart, $3  }
0xcf: {  	[dreg:$0x1] =	wrdreg $0xFFFFFFFF  }
0xd0: {  	_ =	task.clear_ibuf [dreg:s22], $0x2FFFF;
	_ =	strace $0x9FFFFFFF  }
0xd1: {  	(tm) =	ssettm $0x7FFFFFFF  }
tec
execute0_lowered:
.L_overlay_start_1:
0x0: {  	(tag) =	ssettag $0x1  }
0x1: {  	s4 =	rddreg [dreg:$0x0]  }
0x2: {  	s5 =	rddreg [dreg:$0x1]  }
0x3: {  	s0 =	rddreg [dreg:$0x2]  }
0x4: {  	s3 =	srdreg.scid;
	s2 =	simm.s32 $0x0;
	s1 =	stileid.u32  }
0x5: {  	s10 =	simm.s32 $0x3;
	s11 =	simm.s32 $0x1;
	s12 =	simm.s32 $0x200  }
0x6: {  	s13 =	simm.s32 $0x4200;
	s14 =	simm.s32 $0x8200;
	s15 =	simm.s32 $0xC200  }
0x7: {  	s16 =	simm.s32 $0x2;
	s17 =	simm.s32 $0x0;
	s6 =	sand.u32 $0x1, s3  }
0x8: {  	[smem:$0x7FF] =	sst s2;
	s30 =	sshll.u32 s1, $0xA;
	s7 =	sshll.u32 s6, $0x9  }
0x9: {  	s3 =	sadd.s32 $0xF82C00, s5;
	s6 =	ssub.s32 $0x2, s6;
	s7 =	sor.u32 s7, s30  }
0xa: {  	_ =	strace $0x8000004A;
	s31 =	sshrl.u32 s6, $0x1;
	s8 =	sshll.u32 s7, $0x4  }
0xb: {  	s7 =	sshrl.u32 s7, $0x3;
	s9 =	ssub.s32 s6, s31;
	s8 =	sadd.s32 s8, s5  }
0xc: {  	s4 =	sadd.s32 s4, s7;
	s9 =	smax.u32 s9, $0x1;
	s5 =	sadd.s32 $0x1EC5800, s8  }
0xd: {  	s6 =	sadd.s32 $0x1EC5000, s8;
	s7 =	sadd.s32 $0x1EC6000, s8;
	s8 =	sadd.s32 $0x1EC6800, s8  }
.LBB2_1:
0xe: {  	[tilespmem:s2], [sflag:$0x3] =	stream.linear.gather [hbm4b:s4+s2], $0x200, $0x38;
	[tilespmem:$0x10200] =	vst v63  }
0xf: {  	_ =	swait.ge [sflag:s10], $0x200  }
0x10: {  	[sflag:s10] =	ssyncset.done $0x0  }
0x11: {  	s19 =	simm.s32 $0x0;
	[sflag:s10] =	ssyncadd.s32 $0xFFFFFE00  }
0x12: {  	v1 =	vld [tilespmem:s19+$0x0];
	_ =	sdelay $0x4  }
0x13: {  	(v2sf) =	vpush v1, $0x0  }
0x14: {  	(v2sf) =	vpush v1, $0x1;
	_ =	sdelay $0x1  }
0x15: {  	(v2sf) =	vpush v1, $0x2  }
0x16: {  	(v2sf) =	vpush v1, $0x3  }
0x17: {  	(v2sf) =	vpush v1, $0x4  }
0x18: {  	(v2sf) =	vpush v1, $0x5  }
0x19: {  	(v2sf) =	vpush v1, $0x6  }
0x1a: {  	(v2sf) =	vpush v1, $0x7  }
0x1b: {  	(v2sf) =	vpush v1, $0x8  }
0x1c: {  	(v2sf) =	vpush v1, $0x9  }
0x1d: {  	s18 =	simm.s32 $0x10;
	(v2sf) =	vpush v1, $0xA  }
0x1e: {  	v0 =	vld [tilespmem:s18+$0x0];
	(v2sf) =	vpush v1, $0xB  }
0x1f: {  	(v2sf) =	vpush v1, $0xC  }
0x20: {  	(v2sf) =	vpush v1, $0xD  }
0x21: {  	(v2sf) =	vpush v1, $0xE;
	s20 =	spop (v2sf)  }
0x22: {  	(v2sf) =	vpush v1, $0xF;
	[smem:s19] =	sst s20;
	s31 =	spop (v2sf)  }
0x23: {  	(v2sf) =	vpush v0, $0x0;
	[smem:$0x1] =	sst s31  }
0x24: {  	s20 =	spop (v2sf)  }
0x25: {  	(v2sf) =	vpush v0, $0x1;
	[smem:$0x2] =	sst s20  }
0x26: {  	s20 =	spop (v2sf)  }
0x27: {  	(v2sf) =	vpush v0, $0x2;
	[smem:$0x3] =	sst s20  }
0x28: {  	s20 =	spop (v2sf)  }
0x29: {  	(v2sf) =	vpush v0, $0x3;
	[smem:$0x4] =	sst s20  }
0x2a: {  	s20 =	spop (v2sf)  }
0x2b: {  	(v2sf) =	vpush v0, $0x4;
	[smem:$0x5] =	sst s20  }
0x2c: {  	s20 =	spop (v2sf)  }
0x2d: {  	(v2sf) =	vpush v0, $0x5;
	[smem:$0x6] =	sst s20  }
0x2e: {  	s20 =	spop (v2sf)  }
0x2f: {  	(v2sf) =	vpush v0, $0x6;
	[smem:$0x7] =	sst s20  }
0x30: {  	s20 =	spop (v2sf)  }
0x31: {  	(v2sf) =	vpush v0, $0x7;
	[smem:$0x8] =	sst s20  }
0x32: {  	s20 =	spop (v2sf)  }
0x33: {  	(v2sf) =	vpush v0, $0x8;
	[smem:$0x9] =	sst s20  }
0x34: {  	s20 =	spop (v2sf)  }
0x35: {  	(v2sf) =	vpush v0, $0x9;
	[smem:$0xA] =	sst s20  }
0x36: {  	s20 =	spop (v2sf)  }
0x37: {  	(v2sf) =	vpush v0, $0xA;
	[smem:$0xB] =	sst s20  }
0x38: {  	s21 =	spop (v2sf)  }
0x39: {  	(v2sf) =	vpush v0, $0xB;
	[smem:$0xC] =	sst s21  }
0x3a: {  	s20 =	simm.s32 $0x20;
	s21 =	spop (v2sf)  }
0x3b: {  	v1 =	vld [tilespmem:s20+$0x0];
	(v2sf) =	vpush v0, $0xC;
	[smem:$0xD] =	sst s21  }
0x3c: {  	s21 =	spop (v2sf)  }
0x3d: {  	(v2sf) =	vpush v0, $0xD;
	[smem:$0xE] =	sst s21  }
0x3e: {  	s21 =	simm.s32 $0xC0;
	s22 =	spop (v2sf)  }
.LBB2_2:
0x3f: {  	p0 =	sne.s32 s21, $0x7C0;
	[smem:s19+$0xF] =	sst s22;
	s22 =	smov.u32 s21  }
0x40: {  	(v2sf) =	vpush v0, $0xE;
	s21 =	sadd.s32 $0x40, s21;
	s19 =	smov.u32 s18;
	s18 =	smov.u32 s20  }
0x41: {  	s20 =	spop (v2sf);
	(v2sf) =	vpush v0, $0xF  }
0x42: {  	[smem:s19] =	sst s20;
	s20 =	spop (v2sf)  }
0x43: {  	(v2sf) =	vpush v1, $0x0;
	[smem:s19+$0x1] =	sst s20;
	s20 =	spop (v2sf);
	v0 =	vmov v1  }
0x44: {  	(v2sf) =	vpush v0, $0x1;
	[smem:s19+$0x2] =	sst s20;
	s20 =	spop (v2sf)  }
0x45: {  	(v2sf) =	vpush v0, $0x2;
	[smem:s19+$0x3] =	sst s20;
	s20 =	spop (v2sf)  }
0x46: {  	(v2sf) =	vpush v0, $0x3;
	[smem:s19+$0x4] =	sst s20;
	s20 =	spop (v2sf)  }
0x47: {  	(v2sf) =	vpush v0, $0x4;
	[smem:s19+$0x5] =	sst s20;
	s20 =	spop (v2sf)  }
0x48: {  	(v2sf) =	vpush v0, $0x5;
	[smem:s19+$0x6] =	sst s20;
	s20 =	spop (v2sf)  }
0x49: {  	(v2sf) =	vpush v0, $0x6;
	[smem:s19+$0x7] =	sst s20;
	s20 =	spop (v2sf)  }
0x4a: {  	(v2sf) =	vpush v0, $0x7;
	[smem:s19+$0x8] =	sst s20;
	s20 =	spop (v2sf)  }
0x4b: {  	(v2sf) =	vpush v0, $0x8;
	[smem:s19+$0x9] =	sst s20;
	s20 =	spop (v2sf)  }
0x4c: {  	[smem:s19+$0xA] =	sst s20  }
.Ltmp0:
0x4d: {  	(v2sf) =	vpush v0, $0x9;
	s20 =	spop (v2sf);
	(pc) =	sbr.rel @p0 .LBB2_2-.Ltmp0, $4  }
0x4e: {  	(v2sf) =	vpush v0, $0xA;
	[smem:s19+$0xB] =	sst s20;
	s23 =	spop (v2sf)  }
0x4f: {  	s20 =	sshra.s32 s22, $0x2;
	(v2sf) =	vpush v0, $0xB;
	[smem:s19+$0xC] =	sst s23;
	s22 =	spop (v2sf)  }
0x50: {  	v1 =	vld [tilespmem:s20+$0x0];
	(v2sf) =	vpush v0, $0xC;
	[smem:s19+$0xD] =	sst s22;
	s22 =	spop (v2sf)  }
0x51: {  	(v2sf) =	vpush v0, $0xD;
	[smem:s19+$0xE] =	sst s22;
	s22 =	spop (v2sf)  }
0x52: {  	_ = 	snop  }
0x53: {  	(v2sf) =	vpush v0, $0xE  }
0x54: {  	[smem:s19+$0xF] =	sst s22;
	s25 =	spop (v2sf);
	(v2sf) =	vpush v0, $0xF  }
0x55: {  	[smem:s18] =	sst s25;
	s26 =	spop (v2sf);
	(v2sf) =	vpush v1, $0x0  }
0x56: {  	[smem:s18+$0x1] =	sst s26;
	s28 =	spop (v2sf);
	(v2sf) =	vpush v1, $0x1  }
0x57: {  	[smem:s18+$0x2] =	sst s28;
	s29 =	spop (v2sf);
	(v2sf) =	vpush v1, $0x2  }
0x58: {  	[smem:s18+$0x3] =	sst s29;
	s30 =	spop (v2sf);
	(v2sf) =	vpush v1, $0x3  }
0x59: {  	[smem:s18+$0x4] =	sst s30;
	s31 =	spop (v2sf);
	(v2sf) =	vpush v1, $0x4  }
0x5a: {  	[smem:s18+$0x5] =	sst s31;
	s21 =	spop (v2sf);
	(v2sf) =	vpush v1, $0x5  }
0x5b: {  	[smem:s18+$0x6] =	sst s21;
	s22 =	spop (v2sf);
	(v2sf) =	vpush v1, $0x6  }
0x5c: {  	[smem:s18+$0x7] =	sst s22;
	s23 =	spop (v2sf);
	(v2sf) =	vpush v1, $0x7  }
0x5d: {  	[smem:s18+$0x8] =	sst s23;
	s24 =	spop (v2sf);
	(v2sf) =	vpush v1, $0x8  }
0x5e: {  	[smem:s18+$0x9] =	sst s24;
	s25 =	spop (v2sf);
	(v2sf) =	vpush v1, $0x9  }
0x5f: {  	[smem:s18+$0xA] =	sst s25;
	s26 =	spop (v2sf);
	(v2sf) =	vpush v1, $0xA  }
0x60: {  	[smem:s18+$0xB] =	sst s26;
	s28 =	spop (v2sf);
	(v2sf) =	vpush v1, $0xB  }
0x61: {  	[smem:s18+$0xC] =	sst s28;
	s29 =	spop (v2sf);
	(v2sf) =	vpush v1, $0xC  }
0x62: {  	[smem:s18+$0xD] =	sst s29;
	s30 =	spop (v2sf);
	(v2sf) =	vpush v1, $0xD  }
0x63: {  	[smem:s18+$0xE] =	sst s30;
	s31 =	spop (v2sf);
	(v2sf) =	vpush v1, $0xE  }
0x64: {  	[smem:s18+$0xF] =	sst s31;
	s21 =	spop (v2sf);
	(v2sf) =	vpush v1, $0xF  }
0x65: {  	[smem:s20] =	sst s21;
	s22 =	spop (v2sf)  }
0x66: {  	[smem:s20+$0x1] =	sst s22;
	s23 =	spop (v2sf)  }
0x67: {  	[smem:s20+$0x2] =	sst s23;
	s24 =	spop (v2sf)  }
0x68: {  	[smem:s20+$0x3] =	sst s24;
	s25 =	spop (v2sf)  }
0x69: {  	[smem:s20+$0x4] =	sst s25;
	s26 =	spop (v2sf)  }
0x6a: {  	[smem:s20+$0x5] =	sst s26;
	s28 =	spop (v2sf)  }
0x6b: {  	[smem:s20+$0x6] =	sst s28;
	s29 =	spop (v2sf)  }
0x6c: {  	[smem:s20+$0x7] =	sst s29;
	s30 =	spop (v2sf)  }
0x6d: {  	[smem:s20+$0x8] =	sst s30;
	s31 =	spop (v2sf)  }
0x6e: {  	[smem:s20+$0x9] =	sst s31;
	s19 =	spop (v2sf)  }
0x6f: {  	[smem:s20+$0xA] =	sst s19;
	s21 =	spop (v2sf)  }
0x70: {  	[smem:s20+$0xB] =	sst s21;
	s22 =	spop (v2sf)  }
0x71: {  	[smem:s20+$0xC] =	sst s22;
	s23 =	spop (v2sf)  }
0x72: {  	[smem:s20+$0xD] =	sst s23;
	s24 =	spop (v2sf)  }
0x73: {  	[smem:s20+$0xE] =	sst s24;
	s25 =	spop (v2sf)  }
0x74: {  	[smem:s20+$0xF] =	sst s25  }
0x75: {  	s19 =	sld [smem:$0x7]  }
0x76: {  	s20 =	sld [smem:$0x6]  }
0x77: {  	s21 =	sld [smem:$0x0]  }
0x78: {  	s18 =	simm.s32 $0x1000;
	s22 =	sld [smem:$0x5]  }
0x79: {  	s26 =	simm.s32 $0x200;
	s29 =	simm.s32 $0x280;
	s23 =	sld [smem:$0x1]  }
0x7a: {  	s19 =	sshll.u32 s19, $0x4;
	s21 =	sshll.u32 s21, $0x4;
	s24 =	sld [smem:$0x3]  }
0x7b: {  	s21 =	sand.u32 $0x1FFFFFF0, s21;
	s25 =	sld [smem:$0x2];
	s22 =	sshll.u32 s22, $0x4  }
0x7c: {  	s21 =	sadd.s32 s3, s21;
	s23 =	sshll.u32 s23, $0x4;
	s28 =	sld [smem:$0x4]  }
0x7d: {  	s22 =	sand.u32 $0x1FFFFFF0, s22;
	s23 =	sand.u32 $0x1FFFFFF0, s23;
	s24 =	sshll.u32 s24, $0x4  }
0x7e: {  	[tilespmem:s26], [sflag:$0x1] =	stream.linear.gather [hbm4b:s21+s2], $0x80, $0x38;
	[tilespmem:$0x10200] =	vst v63  }
0x7f: {  	s26 =	simm.s32 $0x300;
	s22 =	sadd.s32 s3, s22;
	s25 =	sshll.u32 s25, $0x4  }
0x80: {  	s21 =	simm.s32 $0x0;
	s23 =	sadd.s32 s3, s23;
	s25 =	sand.u32 $0x1FFFFFF0, s25  }
0x81: {  	[tilespmem:s29], [sflag:$0x1] =	stream.linear.gather [hbm4b:s23+s2], $0x80, $0x38;
	[tilespmem:$0x10200] =	vst v63  }
0x82: {  	s24 =	sand.u32 $0x1FFFFFF0, s24;
	s31 =	sshll.u32 s28, $0x4;
	s30 =	sadd.s32 s3, s25  }
0x83: {  	[tilespmem:s26], [sflag:$0x1] =	stream.linear.gather [hbm4b:s30+s2], $0x80, $0x38;
	[tilespmem:$0x10200] =	vst v63  }
0x84: {  	s24 =	sadd.s32 s3, s24;
	s23 =	simm.s32 $0x380;
	s26 =	sand.u32 $0x1FFFFFF0, s31  }
0x85: {  	[tilespmem:s23], [sflag:$0x1] =	stream.linear.gather [hbm4b:s24+s2], $0x80, $0x38;
	[tilespmem:$0x10200] =	vst v63  }
0x86: {  	s28 =	simm.s32 $0x400;
	s29 =	sshll.u32 s20, $0x4;
	s23 =	sadd.s32 s3, s26  }
0x87: {  	[tilespmem:s28], [sflag:$0x1] =	stream.linear.gather [hbm4b:s23+s2], $0x80, $0x38;
	[tilespmem:$0x10200] =	vst v63  }
0x88: {  	s20 =	sand.u32 $0x1FFFFFF0, s19;
	s30 =	simm.s32 $0x480;
	s31 =	sand.u32 $0x1FFFFFF0, s29  }
0x89: {  	[tilespmem:s30], [sflag:$0x1] =	stream.linear.gather [hbm4b:s22+s2], $0x80, $0x38;
	[tilespmem:$0x10200] =	vst v63  }
0x8a: {  	s19 =	simm.s32 $0xC;
	s23 =	sadd.s32 s3, s31;
	s22 =	simm.s32 $0x500  }
.LBB2_4:
0x8b: {  	s24 =	sld [smem:s19+$0x3]  }
0x8c: {  	s21 =	sadd.s32 $0x580, s21;
	s20 =	sadd.s32 s3, s20;
	s25 =	smov.u32 s18  }
0x8d: {  	[tilespmem:s22], [sflag:$0x1] =	stream.linear.gather [hbm4b:s23+s2], $0x80, $0x38;
	[tilespmem:$0x10200] =	vst v63  }
0x8e: {  	p0 =	sne.s32 s18, $0x3F000;
	s18 =	sadd.s32 $0x1000, s18;
	s22 =	sld [smem:s19+$0x2]  }
0x8f: {  	[tilespmem:s21], [sflag:$0x1] =	stream.linear.gather [hbm4b:s20+s2], $0x80, $0x38;
	[tilespmem:$0x10200] =	vst v63  }
0x90: {  	s20 =	sshll.u32 s24, $0x4;
	s21 =	sld [smem:s19+$0xFFFFFFFC]  }
0x91: {  	s20 =	sand.u32 $0x1FFFFFF0, s20;
	s23 =	sld [smem:s19+$0x1];
	s22 =	sshll.u32 s22, $0x4  }
0x92: {  	s24 =	sld [smem:s19+$0xFFFFFFFD];
	s26 =	sand.u32 $0x1FFFFFF0, s22  }
0x93: {  	s22 =	sshll.u32 s21, $0x4;
	s28 =	sld [smem:s19+$0xFFFFFFFF]  }
0x94: {  	s21 =	sshra.s32 s25, $0x2;
	s22 =	sand.u32 $0x1FFFFFF0, s22;
	s25 =	sld [smem:s19+$0xFFFFFFFE]  }
0x95: {  	s29 =	sadd.s32 $0x200, s21;
	s22 =	sadd.s32 s3, s22;
	s24 =	sshll.u32 s24, $0x4  }
0x96: {  	s24 =	sand.u32 $0x1FFFFFF0, s24;
	s28 =	sshll.u32 s28, $0x4;
	s30 =	sld [smem:s19+$0x0]  }
0x97: {  	s31 =	sadd.s32 $0x280, s21;
	s24 =	sadd.s32 s3, s24;
	s25 =	sshll.u32 s25, $0x4  }
0x98: {  	[tilespmem:s29], [sflag:$0x1] =	stream.linear.gather [hbm4b:s22+s2], $0x80, $0x38;
	[tilespmem:$0x10200] =	vst v63  }
0x99: {  	s28 =	sand.u32 $0x1FFFFFF0, s28;
	s22 =	sadd.s32 $0x300, s21;
	s25 =	sand.u32 $0x1FFFFFF0, s25  }
0x9a: {  	[tilespmem:s31], [sflag:$0x1] =	stream.linear.gather [hbm4b:s24+s2], $0x80, $0x38;
	[tilespmem:$0x10200] =	vst v63  }
0x9b: {  	s24 =	sadd.s32 s3, s25;
	s25 =	sadd.s32 s3, s28;
	s28 =	sshll.u32 s30, $0x4  }
0x9c: {  	[tilespmem:s22], [sflag:$0x1] =	stream.linear.gather [hbm4b:s24+s2], $0x80, $0x38;
	[tilespmem:$0x10200] =	vst v63  }
0x9d: {  	s23 =	sshll.u32 s23, $0x4;
	s22 =	sadd.s32 $0x380, s21;
	s24 =	sand.u32 $0x1FFFFFF0, s28  }
0x9e: {  	s23 =	sand.u32 $0x1FFFFFF0, s23;
	s28 =	sadd.s32 $0x400, s21;
	s24 =	sadd.s32 s3, s24  }
0x9f: {  	[tilespmem:s22], [sflag:$0x1] =	stream.linear.gather [hbm4b:s25+s2], $0x80, $0x38;
	[tilespmem:$0x10200] =	vst v63  }
.Ltmp1:
0xa0: {  	_ = 	snop;
	(pc) =	sbr.rel @p0 .LBB2_4-.Ltmp1, $4  }
0xa1: {  	s29 =	sadd.s32 s3, s23;
	s25 =	sadd.s32 $0x480, s21;
	s22 =	sadd.s32 $0x500, s21  }
0xa2: {  	[tilespmem:s28], [sflag:$0x1] =	stream.linear.gather [hbm4b:s24+s2], $0x80, $0x38;
	[tilespmem:$0x10200] =	vst v63  }
0xa3: {  	s19 =	sadd.s32 $0x8, s19;
	s23 =	sadd.s32 s3, s26  }
0xa4: {  	[tilespmem:s25], [sflag:$0x1] =	stream.linear.gather [hbm4b:s29+s2], $0x80, $0x38;
	[tilespmem:$0x10200] =	vst v63  }
0xa5: {  	[tilespmem:s22], [sflag:$0x1] =	stream.linear.gather [hbm4b:s23+s2], $0x80, $0x38;
	[tilespmem:$0x10200] =	vst v63  }
0xa6: {  	s18 =	sadd.s32 $0x580, s21;
	s19 =	sadd.s32 s3, s20  }
0xa7: {  	[tilespmem:s18], [sflag:$0x1] =	stream.linear.gather [hbm4b:s19+s2], $0x80, $0x38;
	[tilespmem:$0x10200] =	vst v63  }
0xa8: {  	_ =	swait.ge [sflag:s11], $0x10000  }
0xa9: {  	[sflag:s11] =	ssyncset.done $0x0  }
0xaa: {  	[sflag:s11] =	ssyncadd.s32 $0xFFFF0000  }
0xab: {  	[hbm4b:s6+s2] =	stream.linear.scatter [tilespmem:s12], [sflag:$0x2], $0x4000, $0x38;
	[tilespmem:$0x10200] =	vst v63  }
0xac: {  	s17 =	sadd.s32 $0x1, s17  }
0xad: {  	[hbm4b:s5+s2] =	stream.linear.scatter [tilespmem:s13], [sflag:$0x2], $0x4000, $0x38;
	[tilespmem:$0x10200] =	vst v63  }
0xae: {  	p0 =	sne.s32 s17, s9  }
0xaf: {  	[hbm4b:s7+s2] =	stream.linear.scatter [tilespmem:s14], [sflag:$0x2], $0x4000, $0x38;
	[tilespmem:$0x10200] =	vst v63  }
.Ltmp2:
0xb0: {  	_ = 	snop;
	(pc) =	sbr.rel @p0 .LBB2_1-.Ltmp2, $4  }
0xb1: {  	[hbm4b:s8+s2] =	stream.linear.scatter [tilespmem:s15], [sflag:$0x2], $0x4000, $0x38;
	[tilespmem:$0x10200] =	vst v63  }
0xb2: {  	_ =	swait.ge [sflag:s16], $0x10000  }
0xb3: {  	[sflag:s16] =	ssyncset.done $0x0  }
0xb4: {  	[sflag:s16] =	ssyncadd.s32 $0xFFFF0000  }
0xb5: {  	_ =	sfence.sel $0x180000  }
0xb6: {  	[bflag:$0x0] =	sbarrier.arrive $0xFFFF  }
0xb7: {  	p0 =	sne.s32 s1, $0x0;
	_ =	strace $0x9000004A  }
0xb8: {  	s0 =	sadd.s32 @!p0 $0x100000, s0;
	[bflag:$0x2] =	sbarrier.arrive $0xFFFF  }
0xb9: {  	[sflag:s0] =	ssyncadd.tile.s32 @!p0 $0x1;
	_ =	shalt  }
.Lfunc_end2:
_tile_overlayer_lowered:
.L_overlay_start_2:
0xba: {  	(tag) =	ssettag $0x2  }
0xbb: {  	s0 =	rddreg [dreg:$0x0];
	s2 =	stileid.u32  }
0xbc: {  	s1 =	rddreg [dreg:$0x1];
	p0 =	sne.s32 s2, $0x0  }
0xbd: {  	s3 =	rddreg [dreg:$0x2];
	[bflag:$0x3] =	sbarrier.arrive $0xFFFF;
	s2 =	simm.s32 @!p0 $0x1C03  }
0xbe: {  	[timem:s3], [sflag:s2] =	dma.local @!p0 [hbm:s0], s1  }
0xbf: {  	s0 =	simm.s32 @!p0 $0x3  }
0xc0: {  	_ =	swait.ge @!p0 [sflag:s0], s1  }
0xc1: {  	s1 =	ssub.s32 @!p0 $0x0, s1;
	[sflag:s0] =	ssyncset.done @!p0 $0x0  }
0xc2: {  	[sflag:s0] =	ssyncadd.s32 @!p0 s1  }
0xc3: {  	[bflag:$0x3] =	sbarrier.arrive $0xFFFF  }
0xc4: {  	_ =	shalt  }

</sc_bundles>
